<compile_context>
chip_gen: v7x
topology: tpu7x:2x2x1
jax: 0.10.2.dev20260603
libtpu: 0.0.44.dev20260713+nightly
codegen_flags: <defaults>
</compile_context>

<pallas_src>
import jax
import jax.numpy as jnp
from jax import lax
from jax.experimental import pallas as pl
from jax.experimental.pallas import tpu as pltpu
from jax.experimental.pallas import tpu_sc as plsc

_NC, _NS, _L = 2, 16, 16
_NW = _NC * _NS


def _tc_body(x_ref, rm_ref, b_ref, idx_ref, w_ref):
    prod_t = lax.dot_general(
        rm_ref[...], x_ref[...], (((0,), (1,)), ((), ())),
        preferred_element_type=jnp.float32)
    powers = jnp.left_shift(
        jnp.int32(1), lax.broadcasted_iota(jnp.int32, prod_t.shape, 0))
    masked = jnp.where(prod_t < 0.0, powers, 0)
    idx = jnp.sum(masked, axis=0)
    idx_ref[...] = idx.reshape(1, 1, idx.shape[0])
    b2d = b_ref[...].reshape(b_ref.shape[0] // 128, 128)
    w_ref[...] = pltpu.bitcast(b2d, jnp.int32)


def _gather_body(idx_hbm, tab_hbm, out_hbm, idx_v, widx_v, words_v, out_v, sem):
    wid = lax.axis_index("s") * _NC + lax.axis_index("c")
    bpw = idx_v.shape[0]
    blk = idx_hbm.shape[2]
    per_blk = blk // bpw
    row = wid // per_blk
    off = (wid % per_blk) * bpw
    pltpu.sync_copy(idx_hbm.at[row, 0, pl.ds(off, bpw)], idx_v)
    base = wid * bpw
    nv = bpw // _L
    per_row = widx_v.shape[1] // _L
    for j in range(nv):
        h = idx_v[pl.ds(j * _L, _L)]
        p = jnp.bitwise_or(
            jnp.left_shift(lax.shift_right_logical(h, 12), 7),
            jnp.bitwise_and(lax.shift_right_logical(h, 3), 127))
        widx_v[j // per_row, pl.ds((j % per_row) * _L, _L)] = p
    copies = []
    for c in range(widx_v.shape[0]):
        cp = pltpu.make_async_copy(
            tab_hbm.at[widx_v.at[c]], words_v.at[c], sem)
        cp.start()
        copies.append(cp)
    for cp in copies:
        cp.wait()
    for j in range(nv):
        w = words_v[j // per_row, pl.ds((j % per_row) * _L, _L)]
        h = idx_v[pl.ds(j * _L, _L)]
        shift = jnp.bitwise_or(
            jnp.left_shift(jnp.bitwise_and(lax.shift_right_logical(h, 10), 3), 3),
            jnp.bitwise_and(h, 7))
        bit = lax.shift_right_logical(w, shift) & 1
        out_v[pl.ds(j * _L, _L)] = bit
    pltpu.sync_copy(out_v, out_hbm.at[0, pl.ds(base, bpw)])


def kernel(x, random_matrix, binary_set):
    B, D = x.shape
    nbits = random_matrix.shape[1]
    nbytes = binary_set.shape[0]
    blk = B
    ng = B // blk
    rblk = nbytes // ng
    idx3, table2d = pl.pallas_call(
        _tc_body,
        grid=(ng,),
        in_specs=[
            pl.BlockSpec((blk, D), lambda i: (i, 0)),
            pl.BlockSpec((D, nbits), lambda i: (0, 0)),
            pl.BlockSpec((rblk,), lambda i: (i,)),
        ],
        out_specs=[
            pl.BlockSpec((1, 1, blk), lambda i: (i, 0, 0)),
            pl.BlockSpec((rblk // 512, 128), lambda i: (i, 0)),
        ],
        out_shape=[
            jax.ShapeDtypeStruct((ng, 1, blk), jnp.int32),
            jax.ShapeDtypeStruct((nbytes // 512, 128), jnp.int32),
        ],
    )(x, random_matrix, binary_set)
    table32 = table2d.reshape(nbytes // 4)

    bpw = B // _NW
    mesh = plsc.VectorSubcoreMesh(core_axis_name="c", subcore_axis_name="s")
    gather = pl.kernel(
        _gather_body,
        out_type=jax.ShapeDtypeStruct((1, B), jnp.bool_),
        mesh=mesh,
        scratch_types=[
            pltpu.VMEM((bpw,), jnp.int32),
            pltpu.VMEM((bpw // 128, 128), jnp.int32),
            pltpu.VMEM((bpw // 128, 128), jnp.int32),
            pltpu.VMEM((bpw,), jnp.int32),
            pltpu.SemaphoreType.DMA,
        ],
    )
    return gather(idx3, table32).reshape(B)

# --- scband reference (transcript-rebuilt; emitter-appended) ---
"""Pipeline reference for scband-sim-hash-86088324481049 (READ-ONLY COPY).

The authoritative reference and input builder live on the scoring server;
editing this copy changes nothing except your own understanding.
"""

import jax, jax.numpy as jnp
import numpy as np

BITS_PER_HASH = 24


def setup_inputs(seed: int = 0) -> dict:
    key = jax.random.key(seed)
    k1, k2, k3 = jax.random.split(key, 3)
    B, D = 16384, 128
    x = jax.random.normal(k1, (B, D), dtype=jnp.float32)
    # hk.get_state('random_matrix', [vector_size, bits_per_hash], RandomNormal())
    random_matrix = jax.random.normal(k2, (D, BITS_PER_HASH), dtype=jnp.float32)
    # hk state 'binary_set': uint8[2 ** (bits_per_hash - 3)]; populated with random bytes
    # (as if update() had been called on prior batches) so the output is nontrivial.
    binary_set = jax.random.randint(k3, (2 ** (BITS_PER_HASH - 3),), 0, 256, dtype=jnp.int32).astype(jnp.uint8)
    return {"x": x, "random_matrix": random_matrix, "binary_set": binary_set}


def reference(x, random_matrix, binary_set):
    # SimHash.get_indices
    x2 = jnp.reshape(x, (x.shape[0], -1))
    rm = jax.lax.stop_gradient(random_matrix)
    product = jnp.matmul(x2, rm)
    powers_of_two = 2 ** jnp.arange(BITS_PER_HASH, dtype=jnp.uint32)
    masked_powers = jnp.where(product < 0.0, powers_of_two, jnp.uint32(0))
    indices = jnp.sum(masked_powers, axis=1)
    byte_indices = indices // 8
    bit_indices = indices % 8
    # BaseHash.__call__
    bset = binary_set.astype(jnp.uint8)
    bytes_from_set = bset[byte_indices]
    seen = (bytes_from_set & (jnp.uint32(1) << bit_indices)) > 0
    return seen

if __name__ == "__main__":
    import jax
    _d = setup_inputs()
    print(jax.jit(kernel)(*tuple(_d.values())))

</pallas_src>

<mosaic_0001>
#map = affine_map<(d0, d1) -> (0, 0, 0)>
#map1 = affine_map<(d0, d1) -> (0)>
#map2 = affine_map<(d0, d1) -> (0, 0)>
module attributes {stable_mosaic.version = 14 : i64} {
  func.func @_gather_body(%arg0: i32, %arg1: i32, %arg2: memref<1x1x16384xi32, #tpu.memory_space<hbm>>, %arg3: memref<524288xi32, #tpu.memory_space<hbm>>, %arg4: memref<1x16384xi32, #tpu.memory_space<hbm>>, %arg5: memref<512xi32, #tpu.memory_space<vmem>>, %arg6: memref<4x128xi32, #tpu.memory_space<vmem>>, %arg7: memref<4x128xi32, #tpu.memory_space<vmem>>, %arg8: memref<512xi32, #tpu.memory_space<vmem>>, %arg9: memref<!tpu.dma_semaphore, #tpu.memory_space<semaphore_mem>>) attributes {dimension_semantics = [#tpu.dimension_semantics<core_parallel>, #tpu.dimension_semantics<subcore_parallel>], iteration_bounds = array<i64: 2, 16>, scalar_prefetch = 0 : i64, scratch_operands = 5 : i64, tpu.core_type = #tpu.core_type<sc_vector_subcore>, window_params = [{transform_indices = #map}, {transform_indices = #map1}, {transform_indices = #map2}]} {
    %mul3A = arith.constant 2 : i32
    %mul3A_0 = arith.muli %arg1, %mul3A : i32
    %add3A = arith.addi %mul3A_0, %arg0 : i32
    %jit3A = arith.constant 32 : i32
    %div3A = arith.divsi %add3A, %jit3A : i32
    %sign3A = arith.constant 0 : i32
    %sign3A_1 = arith.cmpi sgt, %add3A, %sign3A : i32
    %sign3A_2 = arith.extui %sign3A_1 : i1 to i32
    %sign3A_3 = arith.constant 0 : i32
    %sign3A_4 = arith.cmpi slt, %add3A, %sign3A_3 : i32
    %sign3A_5 = arith.extui %sign3A_4 : i1 to i32
    %sign3A_6 = arith.subi %sign3A_2, %sign3A_5 : i32
    %sign3A_7 = arith.constant 0 : i32
    %sign3A_8 = arith.cmpi sgt, %jit3A, %sign3A_7 : i32
    %sign3A_9 = arith.extui %sign3A_8 : i1 to i32
    %sign3A_10 = arith.constant 0 : i32
    %sign3A_11 = arith.cmpi slt, %jit3A, %sign3A_10 : i32
    %sign3A_12 = arith.extui %sign3A_11 : i1 to i32
    %sign3A_13 = arith.subi %sign3A_9, %sign3A_12 : i32
    %ne3A = arith.cmpi ne, %sign3A_6, %sign3A_13 : i32
    %rem3A = arith.remsi %add3A, %jit3A : i32
    %ne3A_14 = arith.constant 0 : i32
    %ne3A_15 = arith.cmpi ne, %rem3A, %ne3A_14 : i32
    %and3A = arith.andi %ne3A, %ne3A_15 : i1
    %sub3A = arith.constant 1 : i32
    %sub3A_16 = arith.subi %div3A, %sub3A : i32
    %select_n3A = arith.select %and3A, %sub3A_16, %div3A : i32
    %jit3A_17 = arith.constant 32 : i32
    %eq3A = arith.constant 0 : i32
    %eq3A_18 = arith.cmpi eq, %jit3A_17, %eq3A : i32
    %jit3A_19 = arith.constant 1 : i32
    %select_n3A_20 = arith.select %eq3A_18, %jit3A_19, %jit3A_17 : i32
    %rem3A_21 = arith.remsi %add3A, %select_n3A_20 : i32
    %ne3A_22 = arith.constant 0 : i32
    %ne3A_23 = arith.cmpi ne, %rem3A_21, %ne3A_22 : i32
    %lt3A = arith.constant 0 : i32
    %lt3A_24 = arith.cmpi slt, %rem3A_21, %lt3A : i32
    %lt3A_25 = arith.constant 0 : i32
    %lt3A_26 = arith.cmpi slt, %select_n3A_20, %lt3A_25 : i32
    %ne3A_27 = arith.xori %lt3A_24, %lt3A_26 : i1
    %and3A_28 = arith.andi %ne3A_27, %ne3A_23 : i1
    %add3A_29 = arith.addi %rem3A_21, %select_n3A_20 : i32
    %select_n3A_30 = arith.select %and3A_28, %add3A_29, %rem3A_21 : i32
    %mul3A_31 = arith.constant 512 : i32
    %mul3A_32 = arith.muli %select_n3A_30, %mul3A_31 : i32
    %run_scoped3A = arith.constant 0 : i32
    "tpu.region"() ({
      %run_scoped3A_1741 = tpu.sem_alloc : memref<!tpu.dma_semaphore, #tpu.memory_space<semaphore_mem>>
      %dma_start3A_1742 = tpu.memref_slice %arg2[%select_n3A, %run_scoped3A, %mul3A_32] : memref<1x1x16384xi32, #tpu.memory_space<hbm>> -> memref<1x1x512xi32, #tpu.memory_space<hbm>>
      %dma_start3A_1743 = tpu.memref_squeeze %dma_start3A_1742 : memref<1x1x512xi32, #tpu.memory_space<hbm>> -> memref<512xi32, #tpu.memory_space<hbm>>
      %dma_start3A_1744 = tpu.memref_slice %arg2[%select_n3A, %run_scoped3A, %mul3A_32] : memref<1x1x16384xi32, #tpu.memory_space<hbm>> -> memref<1x1x512xi32, #tpu.memory_space<hbm>>
      %dma_start3A_1745 = tpu.memref_squeeze %dma_start3A_1744 : memref<1x1x512xi32, #tpu.memory_space<hbm>> -> memref<512xi32, #tpu.memory_space<hbm>>
      tpu.enqueue_dma source(%dma_start3A_1745 : memref<512xi32, #tpu.memory_space<hbm>>) target(%arg5 : memref<512xi32, #tpu.memory_space<vmem>>) target_semaphore(%run_scoped3A_1741 : memref<!tpu.dma_semaphore, #tpu.memory_space<semaphore_mem>>)
      %dma_wait3A_1746 = tpu.memref_slice %arg2[%select_n3A, %run_scoped3A, %mul3A_32] : memref<1x1x16384xi32, #tpu.memory_space<hbm>> -> memref<1x1x512xi32, #tpu.memory_space<hbm>>
      %dma_wait3A_1747 = tpu.memref_squeeze %dma_wait3A_1746 : memref<1x1x512xi32, #tpu.memory_space<hbm>> -> memref<512xi32, #tpu.memory_space<hbm>>
      %dma_wait3A_1748 = tpu.memref_slice %arg2[%select_n3A, %run_scoped3A, %mul3A_32] : memref<1x1x16384xi32, #tpu.memory_space<hbm>> -> memref<1x1x512xi32, #tpu.memory_space<hbm>>
      %dma_wait3A_1749 = tpu.memref_squeeze %dma_wait3A_1748 : memref<1x1x512xi32, #tpu.memory_space<hbm>> -> memref<512xi32, #tpu.memory_space<hbm>>
      tpu.wait_dma2 semaphore(%run_scoped3A_1741 : memref<!tpu.dma_semaphore, #tpu.memory_space<semaphore_mem>>) src(%dma_wait3A_1749 : memref<512xi32, #tpu.memory_space<hbm>>) dst(%arg5 : memref<512xi32, #tpu.memory_space<vmem>>)
      tpu.yield
    }) : () -> ()
    %mul3A_33 = arith.constant 512 : i32
    %mul3A_34 = arith.muli %add3A, %mul3A_33 : i32
    %get3A = arith.constant 0 : index
    %get3A_35 = tpu.vector_load %arg5[%get3A] {strides = array<i32>} : memref<512xi32, #tpu.memory_space<vmem>>, vector<16xi32>,
    %get3A_36 = vector.shape_cast %get3A_35 : vector<16xi32> to vector<16xi32>
    %shift_right_logical3A = arith.constant 12 : i32
    %shift_right_logical3A_37 = vector.broadcast %shift_right_logical3A : i32 to vector<16xi32>
    %shift_right_logical3A_38 = arith.shrui %get3A_36, %shift_right_logical3A_37 : vector<16xi32>
    %shift_left3A = arith.constant 7 : i32
    %shift_left3A_39 = vector.broadcast %shift_left3A : i32 to vector<16xi32>
    %shift_left3A_40 = arith.shli %shift_right_logical3A_38, %shift_left3A_39 : vector<16xi32>
    %shift_right_logical3A_41 = arith.constant 3 : i32
    %shift_right_logical3A_42 = vector.broadcast %shift_right_logical3A_41 : i32 to vector<16xi32>
    %shift_right_logical3A_43 = arith.shrui %get3A_36, %shift_right_logical3A_42 : vector<16xi32>
    %and3A_44 = arith.constant 127 : i32
    %and3A_45 = vector.broadcast %and3A_44 : i32 to vector<16xi32>
    %and3A_46 = arith.andi %shift_right_logical3A_43, %and3A_45 : vector<16xi32>
    %or3A = arith.ori %shift_left3A_40, %and3A_46 : vector<16xi32>
    %swap3A = arith.constant 0 : i32
    %swap3A_47 = arith.index_cast %swap3A : i32 to index
    %swap3A_48 = arith.constant 0 : index
    %swap3A_49 = tpu.vector_load %arg6[%swap3A_47, %swap3A_48] {strides = array<i32>} : memref<4x128xi32, #tpu.memory_space<vmem>>, vector<1x16xi32>,
    %swap3A_50 = vector.shape_cast %swap3A_49 : vector<1x16xi32> to vector<16xi32>
    %swap3A_51 = vector.shape_cast %or3A : vector<16xi32> to vector<1x16xi32>
    tpu.vector_store %arg6[%swap3A_47, %swap3A_48], %swap3A_51 {strides = array<i32>} : memref<4x128xi32, #tpu.memory_space<vmem>>, vector<1x16xi32>,
    %get3A_52 = arith.constant 16 : index
    %get3A_53 = tpu.vector_load %arg5[%get3A_52] {strides = array<i32>} : memref<512xi32, #tpu.memory_space<vmem>>, vector<16xi32>,
    %get3A_54 = vector.shape_cast %get3A_53 : vector<16xi32> to vector<16xi32>
    %shift_right_logical3A_55 = arith.constant 12 : i32
    %shift_right_logical3A_56 = vector.broadcast %shift_right_logical3A_55 : i32 to vector<16xi32>
    %shift_right_logical3A_57 = arith.shrui %get3A_54, %shift_right_logical3A_56 : vector<16xi32>
    %shift_left3A_58 = arith.constant 7 : i32
    %shift_left3A_59 = vector.broadcast %shift_left3A_58 : i32 to vector<16xi32>
    %shift_left3A_60 = arith.shli %shift_right_logical3A_57, %shift_left3A_59 : vector<16xi32>
    %shift_right_logical3A_61 = arith.constant 3 : i32
    %shift_right_logical3A_62 = vector.broadcast %shift_right_logical3A_61 : i32 to vector<16xi32>
    %shift_right_logical3A_63 = arith.shrui %get3A_54, %shift_right_logical3A_62 : vector<16xi32>
    %and3A_64 = arith.constant 127 : i32
    %and3A_65 = vector.broadcast %and3A_64 : i32 to vector<16xi32>
    %and3A_66 = arith.andi %shift_right_logical3A_63, %and3A_65 : vector<16xi32>
    %or3A_67 = arith.ori %shift_left3A_60, %and3A_66 : vector<16xi32>
    %swap3A_68 = arith.constant 0 : i32
    %swap3A_69 = arith.index_cast %swap3A_68 : i32 to index
    %swap3A_70 = arith.constant 16 : index
    %swap3A_71 = tpu.vector_load %arg6[%swap3A_69, %swap3A_70] {strides = array<i32>} : memref<4x128xi32, #tpu.memory_space<vmem>>, vector<1x16xi32>,
    %swap3A_72 = vector.shape_cast %swap3A_71 : vector<1x16xi32> to vector<16xi32>
    %swap3A_73 = vector.shape_cast %or3A_67 : vector<16xi32> to vector<1x16xi32>
    tpu.vector_store %arg6[%swap3A_69, %swap3A_70], %swap3A_73 {strides = array<i32>} : memref<4x128xi32, #tpu.memory_space<vmem>>, vector<1x16xi32>,
    %get3A_74 = arith.constant 32 : index
    %get3A_75 = tpu.vector_load %arg5[%get3A_74] {strides = array<i32>} : memref<512xi32, #tpu.memory_space<vmem>>, vector<16xi32>,
    %get3A_76 = vector.shape_cast %get3A_75 : vector<16xi32> to vector<16xi32>
    %shift_right_logical3A_77 = arith.constant 12 : i32
    %shift_right_logical3A_78 = vector.broadcast %shift_right_logical3A_77 : i32 to vector<16xi32>
    %shift_right_logical3A_79 = arith.shrui %get3A_76, %shift_right_logical3A_78 : vector<16xi32>
    %shift_left3A_80 = arith.constant 7 : i32
    %shift_left3A_81 = vector.broadcast %shift_left3A_80 : i32 to vector<16xi32>
    %shift_left3A_82 = arith.shli %shift_right_logical3A_79, %shift_left3A_81 : vector<16xi32>
    %shift_right_logical3A_83 = arith.constant 3 : i32
    %shift_right_logical3A_84 = vector.broadcast %shift_right_logical3A_83 : i32 to vector<16xi32>
    %shift_right_logical3A_85 = arith.shrui %get3A_76, %shift_right_logical3A_84 : vector<16xi32>
    %and3A_86 = arith.constant 127 : i32
    %and3A_87 = vector.broadcast %and3A_86 : i32 to vector<16xi32>
    %and3A_88 = arith.andi %shift_right_logical3A_85, %and3A_87 : vector<16xi32>
    %or3A_89 = arith.ori %shift_left3A_82, %and3A_88 : vector<16xi32>
    %swap3A_90 = arith.constant 0 : i32
    %swap3A_91 = arith.index_cast %swap3A_90 : i32 to index
    %swap3A_92 = arith.constant 32 : index
    %swap3A_93 = tpu.vector_load %arg6[%swap3A_91, %swap3A_92] {strides = array<i32>} : memref<4x128xi32, #tpu.memory_space<vmem>>, vector<1x16xi32>,
    %swap3A_94 = vector.shape_cast %swap3A_93 : vector<1x16xi32> to vector<16xi32>
    %swap3A_95 = vector.shape_cast %or3A_89 : vector<16xi32> to vector<1x16xi32>
    tpu.vector_store %arg6[%swap3A_91, %swap3A_92], %swap3A_95 {strides = array<i32>} : memref<4x128xi32, #tpu.memory_space<vmem>>, vector<1x16xi32>,
    %get3A_96 = arith.constant 48 : index
    %get3A_97 = tpu.vector_load %arg5[%get3A_96] {strides = array<i32>} : memref<512xi32, #tpu.memory_space<vmem>>, vector<16xi32>,
    %get3A_98 = vector.shape_cast %get3A_97 : vector<16xi32> to vector<16xi32>
    %shift_right_logical3A_99 = arith.constant 12 : i32
    %shift_right_logical3A_100 = vector.broadcast %shift_right_logical3A_99 : i32 to vector<16xi32>
    %shift_right_logical3A_101 = arith.shrui %get3A_98, %shift_right_logical3A_100 : vector<16xi32>
    %shift_left3A_102 = arith.constant 7 : i32
    %shift_left3A_103 = vector.broadcast %shift_left3A_102 : i32 to vector<16xi32>
    %shift_left3A_104 = arith.shli %shift_right_logical3A_101, %shift_left3A_103 : vector<16xi32>
    %shift_right_logical3A_105 = arith.constant 3 : i32
    %shift_right_logical3A_106 = vector.broadcast %shift_right_logical3A_105 : i32 to vector<16xi32>
    %shift_right_logical3A_107 = arith.shrui %get3A_98, %shift_right_logical3A_106 : vector<16xi32>
    %and3A_108 = arith.constant 127 : i32
    %and3A_109 = vector.broadcast %and3A_108 : i32 to vector<16xi32>
    %and3A_110 = arith.andi %shift_right_logical3A_107, %and3A_109 : vector<16xi32>
    %or3A_111 = arith.ori %shift_left3A_104, %and3A_110 : vector<16xi32>
    %swap3A_112 = arith.constant 0 : i32
    %swap3A_113 = arith.index_cast %swap3A_112 : i32 to index
    %swap3A_114 = arith.constant 48 : index
    %swap3A_115 = tpu.vector_load %arg6[%swap3A_113, %swap3A_114] {strides = array<i32>} : memref<4x128xi32, #tpu.memory_space<vmem>>, vector<1x16xi32>,
    %swap3A_116 = vector.shape_cast %swap3A_115 : vector<1x16xi32> to vector<16xi32>
    %swap3A_117 = vector.shape_cast %or3A_111 : vector<16xi32> to vector<1x16xi32>
    tpu.vector_store %arg6[%swap3A_113, %swap3A_114], %swap3A_117 {strides = array<i32>} : memref<4x128xi32, #tpu.memory_space<vmem>>, vector<1x16xi32>,
    %get3A_118 = arith.constant 64 : index
    %get3A_119 = tpu.vector_load %arg5[%get3A_118] {strides = array<i32>} : memref<512xi32, #tpu.memory_space<vmem>>, vector<16xi32>,
    %get3A_120 = vector.shape_cast %get3A_119 : vector<16xi32> to vector<16xi32>
    %shift_right_logical3A_121 = arith.constant 12 : i32
    %shift_right_logical3A_122 = vector.broadcast %shift_right_logical3A_121 : i32 to vector<16xi32>
    %shift_right_logical3A_123 = arith.shrui %get3A_120, %shift_right_logical3A_122 : vector<16xi32>
    %shift_left3A_124 = arith.constant 7 : i32
    %shift_left3A_125 = vector.broadcast %shift_left3A_124 : i32 to vector<16xi32>
    %shift_left3A_126 = arith.shli %shift_right_logical3A_123, %shift_left3A_125 : vector<16xi32>
    %shift_right_logical3A_127 = arith.constant 3 : i32
    %shift_right_logical3A_128 = vector.broadcast %shift_right_logical3A_127 : i32 to vector<16xi32>
    %shift_right_logical3A_129 = arith.shrui %get3A_120, %shift_right_logical3A_128 : vector<16xi32>
    %and3A_130 = arith.constant 127 : i32
    %and3A_131 = vector.broadcast %and3A_130 : i32 to vector<16xi32>
    %and3A_132 = arith.andi %shift_right_logical3A_129, %and3A_131 : vector<16xi32>
    %or3A_133 = arith.ori %shift_left3A_126, %and3A_132 : vector<16xi32>
    %swap3A_134 = arith.constant 0 : i32
    %swap3A_135 = arith.index_cast %swap3A_134 : i32 to index
    %swap3A_136 = arith.constant 64 : index
    %swap3A_137 = tpu.vector_load %arg6[%swap3A_135, %swap3A_136] {strides = array<i32>} : memref<4x128xi32, #tpu.memory_space<vmem>>, vector<1x16xi32>,
    %swap3A_138 = vector.shape_cast %swap3A_137 : vector<1x16xi32> to vector<16xi32>
    %swap3A_139 = vector.shape_cast %or3A_133 : vector<16xi32> to vector<1x16xi32>
    tpu.vector_store %arg6[%swap3A_135, %swap3A_136], %swap3A_139 {strides = array<i32>} : memref<4x128xi32, #tpu.memory_space<vmem>>, vector<1x16xi32>,
    %get3A_140 = arith.constant 80 : index
    %get3A_141 = tpu.vector_load %arg5[%get3A_140] {strides = array<i32>} : memref<512xi32, #tpu.memory_space<vmem>>, vector<16xi32>,
    %get3A_142 = vector.shape_cast %get3A_141 : vector<16xi32> to vector<16xi32>
    %shift_right_logical3A_143 = arith.constant 12 : i32
    %shift_right_logical3A_144 = vector.broadcast %shift_right_logical3A_143 : i32 to vector<16xi32>
    %shift_right_logical3A_145 = arith.shrui %get3A_142, %shift_right_logical3A_144 : vector<16xi32>
    %shift_left3A_146 = arith.constant 7 : i32
    %shift_left3A_147 = vector.broadcast %shift_left3A_146 : i32 to vector<16xi32>
    %shift_left3A_148 = arith.shli %shift_right_logical3A_145, %shift_left3A_147 : vector<16xi32>
    %shift_right_logical3A_149 = arith.constant 3 : i32
    %shift_right_logical3A_150 = vector.broadcast %shift_right_logical3A_149 : i32 to vector<16xi32>
    %shift_right_logical3A_151 = arith.shrui %get3A_142, %shift_right_logical3A_150 : vector<16xi32>
    %and3A_152 = arith.constant 127 : i32
    %and3A_153 = vector.broadcast %and3A_152 : i32 to vector<16xi32>
    %and3A_154 = arith.andi %shift_right_logical3A_151, %and3A_153 : vector<16xi32>
    %or3A_155 = arith.ori %shift_left3A_148, %and3A_154 : vector<16xi32>
    %swap3A_156 = arith.constant 0 : i32
    %swap3A_157 = arith.index_cast %swap3A_156 : i32 to index
    %swap3A_158 = arith.constant 80 : index
    %swap3A_159 = tpu.vector_load %arg6[%swap3A_157, %swap3A_158] {strides = array<i32>} : memref<4x128xi32, #tpu.memory_space<vmem>>, vector<1x16xi32>,
    %swap3A_160 = vector.shape_cast %swap3A_159 : vector<1x16xi32> to vector<16xi32>
    %swap3A_161 = vector.shape_cast %or3A_155 : vector<16xi32> to vector<1x16xi32>
    tpu.vector_store %arg6[%swap3A_157, %swap3A_158], %swap3A_161 {strides = array<i32>} : memref<4x128xi32, #tpu.memory_space<vmem>>, vector<1x16xi32>,
    %get3A_162 = arith.constant 96 : index
    %get3A_163 = tpu.vector_load %arg5[%get3A_162] {strides = array<i32>} : memref<512xi32, #tpu.memory_space<vmem>>, vector<16xi32>,
    %get3A_164 = vector.shape_cast %get3A_163 : vector<16xi32> to vector<16xi32>
    %shift_right_logical3A_165 = arith.constant 12 : i32
    %shift_right_logical3A_166 = vector.broadcast %shift_right_logical3A_165 : i32 to vector<16xi32>
    %shift_right_logical3A_167 = arith.shrui %get3A_164, %shift_right_logical3A_166 : vector<16xi32>
    %shift_left3A_168 = arith.constant 7 : i32
    %shift_left3A_169 = vector.broadcast %shift_left3A_168 : i32 to vector<16xi32>
    %shift_left3A_170 = arith.shli %shift_right_logical3A_167, %shift_left3A_169 : vector<16xi32>
    %shift_right_logical3A_171 = arith.constant 3 : i32
    %shift_right_logical3A_172 = vector.broadcast %shift_right_logical3A_171 : i32 to vector<16xi32>
    %shift_right_logical3A_173 = arith.shrui %get3A_164, %shift_right_logical3A_172 : vector<16xi32>
    %and3A_174 = arith.constant 127 : i32
    %and3A_175 = vector.broadcast %and3A_174 : i32 to vector<16xi32>
    %and3A_176 = arith.andi %shift_right_logical3A_173, %and3A_175 : vector<16xi32>
    %or3A_177 = arith.ori %shift_left3A_170, %and3A_176 : vector<16xi32>
    %swap3A_178 = arith.constant 0 : i32
    %swap3A_179 = arith.index_cast %swap3A_178 : i32 to index
    %swap3A_180 = arith.constant 96 : index
    %swap3A_181 = tpu.vector_load %arg6[%swap3A_179, %swap3A_180] {strides = array<i32>} : memref<4x128xi32, #tpu.memory_space<vmem>>, vector<1x16xi32>,
    %swap3A_182 = vector.shape_cast %swap3A_181 : vector<1x16xi32> to vector<16xi32>
    %swap3A_183 = vector.shape_cast %or3A_177 : vector<16xi32> to vector<1x16xi32>
    tpu.vector_store %arg6[%swap3A_179, %swap3A_180], %swap3A_183 {strides = array<i32>} : memref<4x128xi32, #tpu.memory_space<vmem>>, vector<1x16xi32>,
    %get3A_184 = arith.constant 112 : index
    %get3A_185 = tpu.vector_load %arg5[%get3A_184] {strides = array<i32>} : memref<512xi32, #tpu.memory_space<vmem>>, vector<16xi32>,
    %get3A_186 = vector.shape_cast %get3A_185 : vector<16xi32> to vector<16xi32>
    %shift_right_logical3A_187 = arith.constant 12 : i32
    %shift_right_logical3A_188 = vector.broadcast %shift_right_logical3A_187 : i32 to vector<16xi32>
    %shift_right_logical3A_189 = arith.shrui %get3A_186, %shift_right_logical3A_188 : vector<16xi32>
    %shift_left3A_190 = arith.constant 7 : i32
    %shift_left3A_191 = vector.broadcast %shift_left3A_190 : i32 to vector<16xi32>
    %shift_left3A_192 = arith.shli %shift_right_logical3A_189, %shift_left3A_191 : vector<16xi32>
    %shift_right_logical3A_193 = arith.constant 3 : i32
    %shift_right_logical3A_194 = vector.broadcast %shift_right_logical3A_193 : i32 to vector<16xi32>
    %shift_right_logical3A_195 = arith.shrui %get3A_186, %shift_right_logical3A_194 : vector<16xi32>
    %and3A_196 = arith.constant 127 : i32
    %and3A_197 = vector.broadcast %and3A_196 : i32 to vector<16xi32>
    %and3A_198 = arith.andi %shift_right_logical3A_195, %and3A_197 : vector<16xi32>
    %or3A_199 = arith.ori %shift_left3A_192, %and3A_198 : vector<16xi32>
    %swap3A_200 = arith.constant 0 : i32
    %swap3A_201 = arith.index_cast %swap3A_200 : i32 to index
    %swap3A_202 = arith.constant 112 : index
    %swap3A_203 = tpu.vector_load %arg6[%swap3A_201, %swap3A_202] {strides = array<i32>} : memref<4x128xi32, #tpu.memory_space<vmem>>, vector<1x16xi32>,
    %swap3A_204 = vector.shape_cast %swap3A_203 : vector<1x16xi32> to vector<16xi32>
    %swap3A_205 = vector.shape_cast %or3A_199 : vector<16xi32> to vector<1x16xi32>
    tpu.vector_store %arg6[%swap3A_201, %swap3A_202], %swap3A_205 {strides = array<i32>} : memref<4x128xi32, #tpu.memory_space<vmem>>, vector<1x16xi32>,
    %get3A_206 = arith.constant 128 : index
    %get3A_207 = tpu.vector_load %arg5[%get3A_206] {strides = array<i32>} : memref<512xi32, #tpu.memory_space<vmem>>, vector<16xi32>,
    %get3A_208 = vector.shape_cast %get3A_207 : vector<16xi32> to vector<16xi32>
    %shift_right_logical3A_209 = arith.constant 12 : i32
    %shift_right_logical3A_210 = vector.broadcast %shift_right_logical3A_209 : i32 to vector<16xi32>
    %shift_right_logical3A_211 = arith.shrui %get3A_208, %shift_right_logical3A_210 : vector<16xi32>
    %shift_left3A_212 = arith.constant 7 : i32
    %shift_left3A_213 = vector.broadcast %shift_left3A_212 : i32 to vector<16xi32>
    %shift_left3A_214 = arith.shli %shift_right_logical3A_211, %shift_left3A_213 : vector<16xi32>
    %shift_right_logical3A_215 = arith.constant 3 : i32
    %shift_right_logical3A_216 = vector.broadcast %shift_right_logical3A_215 : i32 to vector<16xi32>
    %shift_right_logical3A_217 = arith.shrui %get3A_208, %shift_right_logical3A_216 : vector<16xi32>
    %and3A_218 = arith.constant 127 : i32
    %and3A_219 = vector.broadcast %and3A_218 : i32 to vector<16xi32>
    %and3A_220 = arith.andi %shift_right_logical3A_217, %and3A_219 : vector<16xi32>
    %or3A_221 = arith.ori %shift_left3A_214, %and3A_220 : vector<16xi32>
    %swap3A_222 = arith.constant 1 : i32
    %swap3A_223 = arith.index_cast %swap3A_222 : i32 to index
    %swap3A_224 = arith.constant 0 : index
    %swap3A_225 = tpu.vector_load %arg6[%swap3A_223, %swap3A_224] {strides = array<i32>} : memref<4x128xi32, #tpu.memory_space<vmem>>, vector<1x16xi32>,
    %swap3A_226 = vector.shape_cast %swap3A_225 : vector<1x16xi32> to vector<16xi32>
    %swap3A_227 = vector.shape_cast %or3A_221 : vector<16xi32> to vector<1x16xi32>
    tpu.vector_store %arg6[%swap3A_223, %swap3A_224], %swap3A_227 {strides = array<i32>} : memref<4x128xi32, #tpu.memory_space<vmem>>, vector<1x16xi32>,
    %get3A_228 = arith.constant 144 : index
    %get3A_229 = tpu.vector_load %arg5[%get3A_228] {strides = array<i32>} : memref<512xi32, #tpu.memory_space<vmem>>, vector<16xi32>,
    %get3A_230 = vector.shape_cast %get3A_229 : vector<16xi32> to vector<16xi32>
    %shift_right_logical3A_231 = arith.constant 12 : i32
    %shift_right_logical3A_232 = vector.broadcast %shift_right_logical3A_231 : i32 to vector<16xi32>
    %shift_right_logical3A_233 = arith.shrui %get3A_230, %shift_right_logical3A_232 : vector<16xi32>
    %shift_left3A_234 = arith.constant 7 : i32
    %shift_left3A_235 = vector.broadcast %shift_left3A_234 : i32 to vector<16xi32>
    %shift_left3A_236 = arith.shli %shift_right_logical3A_233, %shift_left3A_235 : vector<16xi32>
    %shift_right_logical3A_237 = arith.constant 3 : i32
    %shift_right_logical3A_238 = vector.broadcast %shift_right_logical3A_237 : i32 to vector<16xi32>
    %shift_right_logical3A_239 = arith.shrui %get3A_230, %shift_right_logical3A_238 : vector<16xi32>
    %and3A_240 = arith.constant 127 : i32
    %and3A_241 = vector.broadcast %and3A_240 : i32 to vector<16xi32>
    %and3A_242 = arith.andi %shift_right_logical3A_239, %and3A_241 : vector<16xi32>
    %or3A_243 = arith.ori %shift_left3A_236, %and3A_242 : vector<16xi32>
    %swap3A_244 = arith.constant 1 : i32
    %swap3A_245 = arith.index_cast %swap3A_244 : i32 to index
    %swap3A_246 = arith.constant 16 : index
    %swap3A_247 = tpu.vector_load %arg6[%swap3A_245, %swap3A_246] {strides = array<i32>} : memref<4x128xi32, #tpu.memory_space<vmem>>, vector<1x16xi32>,
    %swap3A_248 = vector.shape_cast %swap3A_247 : vector<1x16xi32> to vector<16xi32>
    %swap3A_249 = vector.shape_cast %or3A_243 : vector<16xi32> to vector<1x16xi32>
    tpu.vector_store %arg6[%swap3A_245, %swap3A_246], %swap3A_249 {strides = array<i32>} : memref<4x128xi32, #tpu.memory_space<vmem>>, vector<1x16xi32>,
    %get3A_250 = arith.constant 160 : index
    %get3A_251 = tpu.vector_load %arg5[%get3A_250] {strides = array<i32>} : memref<512xi32, #tpu.memory_space<vmem>>, vector<16xi32>,
    %get3A_252 = vector.shape_cast %get3A_251 : vector<16xi32> to vector<16xi32>
    %shift_right_logical3A_253 = arith.constant 12 : i32
    %shift_right_logical3A_254 = vector.broadcast %shift_right_logical3A_253 : i32 to vector<16xi32>
    %shift_right_logical3A_255 = arith.shrui %get3A_252, %shift_right_logical3A_254 : vector<16xi32>
    %shift_left3A_256 = arith.constant 7 : i32
    %shift_left3A_257 = vector.broadcast %shift_left3A_256 : i32 to vector<16xi32>
    %shift_left3A_258 = arith.shli %shift_right_logical3A_255, %shift_left3A_257 : vector<16xi32>
    %shift_right_logical3A_259 = arith.constant 3 : i32
    %shift_right_logical3A_260 = vector.broadcast %shift_right_logical3A_259 : i32 to vector<16xi32>
    %shift_right_logical3A_261 = arith.shrui %get3A_252, %shift_right_logical3A_260 : vector<16xi32>
    %and3A_262 = arith.constant 127 : i32
    %and3A_263 = vector.broadcast %and3A_262 : i32 to vector<16xi32>
    %and3A_264 = arith.andi %shift_right_logical3A_261, %and3A_263 : vector<16xi32>
    %or3A_265 = arith.ori %shift_left3A_258, %and3A_264 : vector<16xi32>
    %swap3A_266 = arith.constant 1 : i32
    %swap3A_267 = arith.index_cast %swap3A_266 : i32 to index
    %swap3A_268 = arith.constant 32 : index
    %swap3A_269 = tpu.vector_load %arg6[%swap3A_267, %swap3A_268] {strides = array<i32>} : memref<4x128xi32, #tpu.memory_space<vmem>>, vector<1x16xi32>,
    %swap3A_270 = vector.shape_cast %swap3A_269 : vector<1x16xi32> to vector<16xi32>
    %swap3A_271 = vector.shape_cast %or3A_265 : vector<16xi32> to vector<1x16xi32>
    tpu.vector_store %arg6[%swap3A_267, %swap3A_268], %swap3A_271 {strides = array<i32>} : memref<4x128xi32, #tpu.memory_space<vmem>>, vector<1x16xi32>,
    %get3A_272 = arith.constant 176 : index
    %get3A_273 = tpu.vector_load %arg5[%get3A_272] {strides = array<i32>} : memref<512xi32, #tpu.memory_space<vmem>>, vector<16xi32>,
    %get3A_274 = vector.shape_cast %get3A_273 : vector<16xi32> to vector<16xi32>
    %shift_right_logical3A_275 = arith.constant 12 : i32
    %shift_right_logical3A_276 = vector.broadcast %shift_right_logical3A_275 : i32 to vector<16xi32>
    %shift_right_logical3A_277 = arith.shrui %get3A_274, %shift_right_logical3A_276 : vector<16xi32>
    %shift_left3A_278 = arith.constant 7 : i32
    %shift_left3A_279 = vector.broadcast %shift_left3A_278 : i32 to vector<16xi32>
    %shift_left3A_280 = arith.shli %shift_right_logical3A_277, %shift_left3A_279 : vector<16xi32>
    %shift_right_logical3A_281 = arith.constant 3 : i32
    %shift_right_logical3A_282 = vector.broadcast %shift_right_logical3A_281 : i32 to vector<16xi32>
    %shift_right_logical3A_283 = arith.shrui %get3A_274, %shift_right_logical3A_282 : vector<16xi32>
    %and3A_284 = arith.constant 127 : i32
    %and3A_285 = vector.broadcast %and3A_284 : i32 to vector<16xi32>
    %and3A_286 = arith.andi %shift_right_logical3A_283, %and3A_285 : vector<16xi32>
    %or3A_287 = arith.ori %shift_left3A_280, %and3A_286 : vector<16xi32>
    %swap3A_288 = arith.constant 1 : i32
    %swap3A_289 = arith.index_cast %swap3A_288 : i32 to index
    %swap3A_290 = arith.constant 48 : index
    %swap3A_291 = tpu.vector_load %arg6[%swap3A_289, %swap3A_290] {strides = array<i32>} : memref<4x128xi32, #tpu.memory_space<vmem>>, vector<1x16xi32>,
    %swap3A_292 = vector.shape_cast %swap3A_291 : vector<1x16xi32> to vector<16xi32>
    %swap3A_293 = vector.shape_cast %or3A_287 : vector<16xi32> to vector<1x16xi32>
    tpu.vector_store %arg6[%swap3A_289, %swap3A_290], %swap3A_293 {strides = array<i32>} : memref<4x128xi32, #tpu.memory_space<vmem>>, vector<1x16xi32>,
    %get3A_294 = arith.constant 192 : index
    %get3A_295 = tpu.vector_load %arg5[%get3A_294] {strides = array<i32>} : memref<512xi32, #tpu.memory_space<vmem>>, vector<16xi32>,
    %get3A_296 = vector.shape_cast %get3A_295 : vector<16xi32> to vector<16xi32>
    %shift_right_logical3A_297 = arith.constant 12 : i32
    %shift_right_logical3A_298 = vector.broadcast %shift_right_logical3A_297 : i32 to vector<16xi32>
    %shift_right_logical3A_299 = arith.shrui %get3A_296, %shift_right_logical3A_298 : vector<16xi32>
    %shift_left3A_300 = arith.constant 7 : i32
    %shift_left3A_301 = vector.broadcast %shift_left3A_300 : i32 to vector<16xi32>
    %shift_left3A_302 = arith.shli %shift_right_logical3A_299, %shift_left3A_301 : vector<16xi32>
    %shift_right_logical3A_303 = arith.constant 3 : i32
    %shift_right_logical3A_304 = vector.broadcast %shift_right_logical3A_303 : i32 to vector<16xi32>
    %shift_right_logical3A_305 = arith.shrui %get3A_296, %shift_right_logical3A_304 : vector<16xi32>
    %and3A_306 = arith.constant 127 : i32
    %and3A_307 = vector.broadcast %and3A_306 : i32 to vector<16xi32>
    %and3A_308 = arith.andi %shift_right_logical3A_305, %and3A_307 : vector<16xi32>
    %or3A_309 = arith.ori %shift_left3A_302, %and3A_308 : vector<16xi32>
    %swap3A_310 = arith.constant 1 : i32
    %swap3A_311 = arith.index_cast %swap3A_310 : i32 to index
    %swap3A_312 = arith.constant 64 : index
    %swap3A_313 = tpu.vector_load %arg6[%swap3A_311, %swap3A_312] {strides = array<i32>} : memref<4x128xi32, #tpu.memory_space<vmem>>, vector<1x16xi32>,
    %swap3A_314 = vector.shape_cast %swap3A_313 : vector<1x16xi32> to vector<16xi32>
    %swap3A_315 = vector.shape_cast %or3A_309 : vector<16xi32> to vector<1x16xi32>
    tpu.vector_store %arg6[%swap3A_311, %swap3A_312], %swap3A_315 {strides = array<i32>} : memref<4x128xi32, #tpu.memory_space<vmem>>, vector<1x16xi32>,
    %get3A_316 = arith.constant 208 : index
    %get3A_317 = tpu.vector_load %arg5[%get3A_316] {strides = array<i32>} : memref<512xi32, #tpu.memory_space<vmem>>, vector<16xi32>,
    %get3A_318 = vector.shape_cast %get3A_317 : vector<16xi32> to vector<16xi32>
    %shift_right_logical3A_319 = arith.constant 12 : i32
    %shift_right_logical3A_320 = vector.broadcast %shift_right_logical3A_319 : i32 to vector<16xi32>
    %shift_right_logical3A_321 = arith.shrui %get3A_318, %shift_right_logical3A_320 : vector<16xi32>
    %shift_left3A_322 = arith.constant 7 : i32
    %shift_left3A_323 = vector.broadcast %shift_left3A_322 : i32 to vector<16xi32>
    %shift_left3A_324 = arith.shli %shift_right_logical3A_321, %shift_left3A_323 : vector<16xi32>
    %shift_right_logical3A_325 = arith.constant 3 : i32
    %shift_right_logical3A_326 = vector.broadcast %shift_right_logical3A_325 : i32 to vector<16xi32>
    %shift_right_logical3A_327 = arith.shrui %get3A_318, %shift_right_logical3A_326 : vector<16xi32>
    %and3A_328 = arith.constant 127 : i32
    %and3A_329 = vector.broadcast %and3A_328 : i32 to vector<16xi32>
    %and3A_330 = arith.andi %shift_right_logical3A_327, %and3A_329 : vector<16xi32>
    %or3A_331 = arith.ori %shift_left3A_324, %and3A_330 : vector<16xi32>
    %swap3A_332 = arith.constant 1 : i32
    %swap3A_333 = arith.index_cast %swap3A_332 : i32 to index
    %swap3A_334 = arith.constant 80 : index
    %swap3A_335 = tpu.vector_load %arg6[%swap3A_333, %swap3A_334] {strides = array<i32>} : memref<4x128xi32, #tpu.memory_space<vmem>>, vector<1x16xi32>,
    %swap3A_336 = vector.shape_cast %swap3A_335 : vector<1x16xi32> to vector<16xi32>
    %swap3A_337 = vector.shape_cast %or3A_331 : vector<16xi32> to vector<1x16xi32>
    tpu.vector_store %arg6[%swap3A_333, %swap3A_334], %swap3A_337 {strides = array<i32>} : memref<4x128xi32, #tpu.memory_space<vmem>>, vector<1x16xi32>,
    %get3A_338 = arith.constant 224 : index
    %get3A_339 = tpu.vector_load %arg5[%get3A_338] {strides = array<i32>} : memref<512xi32, #tpu.memory_space<vmem>>, vector<16xi32>,
    %get3A_340 = vector.shape_cast %get3A_339 : vector<16xi32> to vector<16xi32>
    %shift_right_logical3A_341 = arith.constant 12 : i32
    %shift_right_logical3A_342 = vector.broadcast %shift_right_logical3A_341 : i32 to vector<16xi32>
    %shift_right_logical3A_343 = arith.shrui %get3A_340, %shift_right_logical3A_342 : vector<16xi32>
    %shift_left3A_344 = arith.constant 7 : i32
    %shift_left3A_345 = vector.broadcast %shift_left3A_344 : i32 to vector<16xi32>
    %shift_left3A_346 = arith.shli %shift_right_logical3A_343, %shift_left3A_345 : vector<16xi32>
    %shift_right_logical3A_347 = arith.constant 3 : i32
    %shift_right_logical3A_348 = vector.broadcast %shift_right_logical3A_347 : i32 to vector<16xi32>
    %shift_right_logical3A_349 = arith.shrui %get3A_340, %shift_right_logical3A_348 : vector<16xi32>
    %and3A_350 = arith.constant 127 : i32
    %and3A_351 = vector.broadcast %and3A_350 : i32 to vector<16xi32>
    %and3A_352 = arith.andi %shift_right_logical3A_349, %and3A_351 : vector<16xi32>
    %or3A_353 = arith.ori %shift_left3A_346, %and3A_352 : vector<16xi32>
    %swap3A_354 = arith.constant 1 : i32
    %swap3A_355 = arith.index_cast %swap3A_354 : i32 to index
    %swap3A_356 = arith.constant 96 : index
    %swap3A_357 = tpu.vector_load %arg6[%swap3A_355, %swap3A_356] {strides = array<i32>} : memref<4x128xi32, #tpu.memory_space<vmem>>, vector<1x16xi32>,
    %swap3A_358 = vector.shape_cast %swap3A_357 : vector<1x16xi32> to vector<16xi32>
    %swap3A_359 = vector.shape_cast %or3A_353 : vector<16xi32> to vector<1x16xi32>
    tpu.vector_store %arg6[%swap3A_355, %swap3A_356], %swap3A_359 {strides = array<i32>} : memref<4x128xi32, #tpu.memory_space<vmem>>, vector<1x16xi32>,
    %get3A_360 = arith.constant 240 : index
    %get3A_361 = tpu.vector_load %arg5[%get3A_360] {strides = array<i32>} : memref<512xi32, #tpu.memory_space<vmem>>, vector<16xi32>,
    %get3A_362 = vector.shape_cast %get3A_361 : vector<16xi32> to vector<16xi32>
    %shift_right_logical3A_363 = arith.constant 12 : i32
    %shift_right_logical3A_364 = vector.broadcast %shift_right_logical3A_363 : i32 to vector<16xi32>
    %shift_right_logical3A_365 = arith.shrui %get3A_362, %shift_right_logical3A_364 : vector<16xi32>
    %shift_left3A_366 = arith.constant 7 : i32
    %shift_left3A_367 = vector.broadcast %shift_left3A_366 : i32 to vector<16xi32>
    %shift_left3A_368 = arith.shli %shift_right_logical3A_365, %shift_left3A_367 : vector<16xi32>
    %shift_right_logical3A_369 = arith.constant 3 : i32
    %shift_right_logical3A_370 = vector.broadcast %shift_right_logical3A_369 : i32 to vector<16xi32>
    %shift_right_logical3A_371 = arith.shrui %get3A_362, %shift_right_logical3A_370 : vector<16xi32>
    %and3A_372 = arith.constant 127 : i32
    %and3A_373 = vector.broadcast %and3A_372 : i32 to vector<16xi32>
    %and3A_374 = arith.andi %shift_right_logical3A_371, %and3A_373 : vector<16xi32>
    %or3A_375 = arith.ori %shift_left3A_368, %and3A_374 : vector<16xi32>
    %swap3A_376 = arith.constant 1 : i32
    %swap3A_377 = arith.index_cast %swap3A_376 : i32 to index
    %swap3A_378 = arith.constant 112 : index
    %swap3A_379 = tpu.vector_load %arg6[%swap3A_377, %swap3A_378] {strides = array<i32>} : memref<4x128xi32, #tpu.memory_space<vmem>>, vector<1x16xi32>,
    %swap3A_380 = vector.shape_cast %swap3A_379 : vector<1x16xi32> to vector<16xi32>
    %swap3A_381 = vector.shape_cast %or3A_375 : vector<16xi32> to vector<1x16xi32>
    tpu.vector_store %arg6[%swap3A_377, %swap3A_378], %swap3A_381 {strides = array<i32>} : memref<4x128xi32, #tpu.memory_space<vmem>>, vector<1x16xi32>,
    %get3A_382 = arith.constant 256 : index
    %get3A_383 = tpu.vector_load %arg5[%get3A_382] {strides = array<i32>} : memref<512xi32, #tpu.memory_space<vmem>>, vector<16xi32>,
    %get3A_384 = vector.shape_cast %get3A_383 : vector<16xi32> to vector<16xi32>
    %shift_right_logical3A_385 = arith.constant 12 : i32
    %shift_right_logical3A_386 = vector.broadcast %shift_right_logical3A_385 : i32 to vector<16xi32>
    %shift_right_logical3A_387 = arith.shrui %get3A_384, %shift_right_logical3A_386 : vector<16xi32>
    %shift_left3A_388 = arith.constant 7 : i32
    %shift_left3A_389 = vector.broadcast %shift_left3A_388 : i32 to vector<16xi32>
    %shift_left3A_390 = arith.shli %shift_right_logical3A_387, %shift_left3A_389 : vector<16xi32>
    %shift_right_logical3A_391 = arith.constant 3 : i32
    %shift_right_logical3A_392 = vector.broadcast %shift_right_logical3A_391 : i32 to vector<16xi32>
    %shift_right_logical3A_393 = arith.shrui %get3A_384, %shift_right_logical3A_392 : vector<16xi32>
    %and3A_394 = arith.constant 127 : i32
    %and3A_395 = vector.broadcast %and3A_394 : i32 to vector<16xi32>
    %and3A_396 = arith.andi %shift_right_logical3A_393, %and3A_395 : vector<16xi32>
    %or3A_397 = arith.ori %shift_left3A_390, %and3A_396 : vector<16xi32>
    %swap3A_398 = arith.constant 2 : i32
    %swap3A_399 = arith.index_cast %swap3A_398 : i32 to index
    %swap3A_400 = arith.constant 0 : index
    %swap3A_401 = tpu.vector_load %arg6[%swap3A_399, %swap3A_400] {strides = array<i32>} : memref<4x128xi32, #tpu.memory_space<vmem>>, vector<1x16xi32>,
    %swap3A_402 = vector.shape_cast %swap3A_401 : vector<1x16xi32> to vector<16xi32>
    %swap3A_403 = vector.shape_cast %or3A_397 : vector<16xi32> to vector<1x16xi32>
    tpu.vector_store %arg6[%swap3A_399, %swap3A_400], %swap3A_403 {strides = array<i32>} : memref<4x128xi32, #tpu.memory_space<vmem>>, vector<1x16xi32>,
    %get3A_404 = arith.constant 272 : index
    %get3A_405 = tpu.vector_load %arg5[%get3A_404] {strides = array<i32>} : memref<512xi32, #tpu.memory_space<vmem>>, vector<16xi32>,
    %get3A_406 = vector.shape_cast %get3A_405 : vector<16xi32> to vector<16xi32>
    %shift_right_logical3A_407 = arith.constant 12 : i32
    %shift_right_logical3A_408 = vector.broadcast %shift_right_logical3A_407 : i32 to vector<16xi32>
    %shift_right_logical3A_409 = arith.shrui %get3A_406, %shift_right_logical3A_408 : vector<16xi32>
    %shift_left3A_410 = arith.constant 7 : i32
    %shift_left3A_411 = vector.broadcast %shift_left3A_410 : i32 to vector<16xi32>
    %shift_left3A_412 = arith.shli %shift_right_logical3A_409, %shift_left3A_411 : vector<16xi32>
    %shift_right_logical3A_413 = arith.constant 3 : i32
    %shift_right_logical3A_414 = vector.broadcast %shift_right_logical3A_413 : i32 to vector<16xi32>
    %shift_right_logical3A_415 = arith.shrui %get3A_406, %shift_right_logical3A_414 : vector<16xi32>
    %and3A_416 = arith.constant 127 : i32
    %and3A_417 = vector.broadcast %and3A_416 : i32 to vector<16xi32>
    %and3A_418 = arith.andi %shift_right_logical3A_415, %and3A_417 : vector<16xi32>
    %or3A_419 = arith.ori %shift_left3A_412, %and3A_418 : vector<16xi32>
    %swap3A_420 = arith.constant 2 : i32
    %swap3A_421 = arith.index_cast %swap3A_420 : i32 to index
    %swap3A_422 = arith.constant 16 : index
    %swap3A_423 = tpu.vector_load %arg6[%swap3A_421, %swap3A_422] {strides = array<i32>} : memref<4x128xi32, #tpu.memory_space<vmem>>, vector<1x16xi32>,
    %swap3A_424 = vector.shape_cast %swap3A_423 : vector<1x16xi32> to vector<16xi32>
    %swap3A_425 = vector.shape_cast %or3A_419 : vector<16xi32> to vector<1x16xi32>
    tpu.vector_store %arg6[%swap3A_421, %swap3A_422], %swap3A_425 {strides = array<i32>} : memref<4x128xi32, #tpu.memory_space<vmem>>, vector<1x16xi32>,
    %get3A_426 = arith.constant 288 : index
    %get3A_427 = tpu.vector_load %arg5[%get3A_426] {strides = array<i32>} : memref<512xi32, #tpu.memory_space<vmem>>, vector<16xi32>,
    %get3A_428 = vector.shape_cast %get3A_427 : vector<16xi32> to vector<16xi32>
    %shift_right_logical3A_429 = arith.constant 12 : i32
    %shift_right_logical3A_430 = vector.broadcast %shift_right_logical3A_429 : i32 to vector<16xi32>
    %shift_right_logical3A_431 = arith.shrui %get3A_428, %shift_right_logical3A_430 : vector<16xi32>
    %shift_left3A_432 = arith.constant 7 : i32
    %shift_left3A_433 = vector.broadcast %shift_left3A_432 : i32 to vector<16xi32>
    %shift_left3A_434 = arith.shli %shift_right_logical3A_431, %shift_left3A_433 : vector<16xi32>
    %shift_right_logical3A_435 = arith.constant 3 : i32
    %shift_right_logical3A_436 = vector.broadcast %shift_right_logical3A_435 : i32 to vector<16xi32>
    %shift_right_logical3A_437 = arith.shrui %get3A_428, %shift_right_logical3A_436 : vector<16xi32>
    %and3A_438 = arith.constant 127 : i32
    %and3A_439 = vector.broadcast %and3A_438 : i32 to vector<16xi32>
    %and3A_440 = arith.andi %shift_right_logical3A_437, %and3A_439 : vector<16xi32>
    %or3A_441 = arith.ori %shift_left3A_434, %and3A_440 : vector<16xi32>
    %swap3A_442 = arith.constant 2 : i32
    %swap3A_443 = arith.index_cast %swap3A_442 : i32 to index
    %swap3A_444 = arith.constant 32 : index
    %swap3A_445 = tpu.vector_load %arg6[%swap3A_443, %swap3A_444] {strides = array<i32>} : memref<4x128xi32, #tpu.memory_space<vmem>>, vector<1x16xi32>,
    %swap3A_446 = vector.shape_cast %swap3A_445 : vector<1x16xi32> to vector<16xi32>
    %swap3A_447 = vector.shape_cast %or3A_441 : vector<16xi32> to vector<1x16xi32>
    tpu.vector_store %arg6[%swap3A_443, %swap3A_444], %swap3A_447 {strides = array<i32>} : memref<4x128xi32, #tpu.memory_space<vmem>>, vector<1x16xi32>,
    %get3A_448 = arith.constant 304 : index
    %get3A_449 = tpu.vector_load %arg5[%get3A_448] {strides = array<i32>} : memref<512xi32, #tpu.memory_space<vmem>>, vector<16xi32>,
    %get3A_450 = vector.shape_cast %get3A_449 : vector<16xi32> to vector<16xi32>
    %shift_right_logical3A_451 = arith.constant 12 : i32
    %shift_right_logical3A_452 = vector.broadcast %shift_right_logical3A_451 : i32 to vector<16xi32>
    %shift_right_logical3A_453 = arith.shrui %get3A_450, %shift_right_logical3A_452 : vector<16xi32>
    %shift_left3A_454 = arith.constant 7 : i32
    %shift_left3A_455 = vector.broadcast %shift_left3A_454 : i32 to vector<16xi32>
    %shift_left3A_456 = arith.shli %shift_right_logical3A_453, %shift_left3A_455 : vector<16xi32>
    %shift_right_logical3A_457 = arith.constant 3 : i32
    %shift_right_logical3A_458 = vector.broadcast %shift_right_logical3A_457 : i32 to vector<16xi32>
    %shift_right_logical3A_459 = arith.shrui %get3A_450, %shift_right_logical3A_458 : vector<16xi32>
    %and3A_460 = arith.constant 127 : i32
    %and3A_461 = vector.broadcast %and3A_460 : i32 to vector<16xi32>
    %and3A_462 = arith.andi %shift_right_logical3A_459, %and3A_461 : vector<16xi32>
    %or3A_463 = arith.ori %shift_left3A_456, %and3A_462 : vector<16xi32>
    %swap3A_464 = arith.constant 2 : i32
    %swap3A_465 = arith.index_cast %swap3A_464 : i32 to index
    %swap3A_466 = arith.constant 48 : index
    %swap3A_467 = tpu.vector_load %arg6[%swap3A_465, %swap3A_466] {strides = array<i32>} : memref<4x128xi32, #tpu.memory_space<vmem>>, vector<1x16xi32>,
    %swap3A_468 = vector.shape_cast %swap3A_467 : vector<1x16xi32> to vector<16xi32>
    %swap3A_469 = vector.shape_cast %or3A_463 : vector<16xi32> to vector<1x16xi32>
    tpu.vector_store %arg6[%swap3A_465, %swap3A_466], %swap3A_469 {strides = array<i32>} : memref<4x128xi32, #tpu.memory_space<vmem>>, vector<1x16xi32>,
    %get3A_470 = arith.constant 320 : index
    %get3A_471 = tpu.vector_load %arg5[%get3A_470] {strides = array<i32>} : memref<512xi32, #tpu.memory_space<vmem>>, vector<16xi32>,
    %get3A_472 = vector.shape_cast %get3A_471 : vector<16xi32> to vector<16xi32>
    %shift_right_logical3A_473 = arith.constant 12 : i32
    %shift_right_logical3A_474 = vector.broadcast %shift_right_logical3A_473 : i32 to vector<16xi32>
    %shift_right_logical3A_475 = arith.shrui %get3A_472, %shift_right_logical3A_474 : vector<16xi32>
    %shift_left3A_476 = arith.constant 7 : i32
    %shift_left3A_477 = vector.broadcast %shift_left3A_476 : i32 to vector<16xi32>
    %shift_left3A_478 = arith.shli %shift_right_logical3A_475, %shift_left3A_477 : vector<16xi32>
    %shift_right_logical3A_479 = arith.constant 3 : i32
    %shift_right_logical3A_480 = vector.broadcast %shift_right_logical3A_479 : i32 to vector<16xi32>
    %shift_right_logical3A_481 = arith.shrui %get3A_472, %shift_right_logical3A_480 : vector<16xi32>
    %and3A_482 = arith.constant 127 : i32
    %and3A_483 = vector.broadcast %and3A_482 : i32 to vector<16xi32>
    %and3A_484 = arith.andi %shift_right_logical3A_481, %and3A_483 : vector<16xi32>
    %or3A_485 = arith.ori %shift_left3A_478, %and3A_484 : vector<16xi32>
    %swap3A_486 = arith.constant 2 : i32
    %swap3A_487 = arith.index_cast %swap3A_486 : i32 to index
    %swap3A_488 = arith.constant 64 : index
    %swap3A_489 = tpu.vector_load %arg6[%swap3A_487, %swap3A_488] {strides = array<i32>} : memref<4x128xi32, #tpu.memory_space<vmem>>, vector<1x16xi32>,
    %swap3A_490 = vector.shape_cast %swap3A_489 : vector<1x16xi32> to vector<16xi32>
    %swap3A_491 = vector.shape_cast %or3A_485 : vector<16xi32> to vector<1x16xi32>
    tpu.vector_store %arg6[%swap3A_487, %swap3A_488], %swap3A_491 {strides = array<i32>} : memref<4x128xi32, #tpu.memory_space<vmem>>, vector<1x16xi32>,
    %get3A_492 = arith.constant 336 : index
    %get3A_493 = tpu.vector_load %arg5[%get3A_492] {strides = array<i32>} : memref<512xi32, #tpu.memory_space<vmem>>, vector<16xi32>,
    %get3A_494 = vector.shape_cast %get3A_493 : vector<16xi32> to vector<16xi32>
    %shift_right_logical3A_495 = arith.constant 12 : i32
    %shift_right_logical3A_496 = vector.broadcast %shift_right_logical3A_495 : i32 to vector<16xi32>
    %shift_right_logical3A_497 = arith.shrui %get3A_494, %shift_right_logical3A_496 : vector<16xi32>
    %shift_left3A_498 = arith.constant 7 : i32
    %shift_left3A_499 = vector.broadcast %shift_left3A_498 : i32 to vector<16xi32>
    %shift_left3A_500 = arith.shli %shift_right_logical3A_497, %shift_left3A_499 : vector<16xi32>
    %shift_right_logical3A_501 = arith.constant 3 : i32
    %shift_right_logical3A_502 = vector.broadcast %shift_right_logical3A_501 : i32 to vector<16xi32>
    %shift_right_logical3A_503 = arith.shrui %get3A_494, %shift_right_logical3A_502 : vector<16xi32>
    %and3A_504 = arith.constant 127 : i32
    %and3A_505 = vector.broadcast %and3A_504 : i32 to vector<16xi32>
    %and3A_506 = arith.andi %shift_right_logical3A_503, %and3A_505 : vector<16xi32>
    %or3A_507 = arith.ori %shift_left3A_500, %and3A_506 : vector<16xi32>
    %swap3A_508 = arith.constant 2 : i32
    %swap3A_509 = arith.index_cast %swap3A_508 : i32 to index
    %swap3A_510 = arith.constant 80 : index
    %swap3A_511 = tpu.vector_load %arg6[%swap3A_509, %swap3A_510] {strides = array<i32>} : memref<4x128xi32, #tpu.memory_space<vmem>>, vector<1x16xi32>,
    %swap3A_512 = vector.shape_cast %swap3A_511 : vector<1x16xi32> to vector<16xi32>
    %swap3A_513 = vector.shape_cast %or3A_507 : vector<16xi32> to vector<1x16xi32>
    tpu.vector_store %arg6[%swap3A_509, %swap3A_510], %swap3A_513 {strides = array<i32>} : memref<4x128xi32, #tpu.memory_space<vmem>>, vector<1x16xi32>,
    %get3A_514 = arith.constant 352 : index
    %get3A_515 = tpu.vector_load %arg5[%get3A_514] {strides = array<i32>} : memref<512xi32, #tpu.memory_space<vmem>>, vector<16xi32>,
    %get3A_516 = vector.shape_cast %get3A_515 : vector<16xi32> to vector<16xi32>
    %shift_right_logical3A_517 = arith.constant 12 : i32
    %shift_right_logical3A_518 = vector.broadcast %shift_right_logical3A_517 : i32 to vector<16xi32>
    %shift_right_logical3A_519 = arith.shrui %get3A_516, %shift_right_logical3A_518 : vector<16xi32>
    %shift_left3A_520 = arith.constant 7 : i32
    %shift_left3A_521 = vector.broadcast %shift_left3A_520 : i32 to vector<16xi32>
    %shift_left3A_522 = arith.shli %shift_right_logical3A_519, %shift_left3A_521 : vector<16xi32>
    %shift_right_logical3A_523 = arith.constant 3 : i32
    %shift_right_logical3A_524 = vector.broadcast %shift_right_logical3A_523 : i32 to vector<16xi32>
    %shift_right_logical3A_525 = arith.shrui %get3A_516, %shift_right_logical3A_524 : vector<16xi32>
    %and3A_526 = arith.constant 127 : i32
    %and3A_527 = vector.broadcast %and3A_526 : i32 to vector<16xi32>
    %and3A_528 = arith.andi %shift_right_logical3A_525, %and3A_527 : vector<16xi32>
    %or3A_529 = arith.ori %shift_left3A_522, %and3A_528 : vector<16xi32>
    %swap3A_530 = arith.constant 2 : i32
    %swap3A_531 = arith.index_cast %swap3A_530 : i32 to index
    %swap3A_532 = arith.constant 96 : index
    %swap3A_533 = tpu.vector_load %arg6[%swap3A_531, %swap3A_532] {strides = array<i32>} : memref<4x128xi32, #tpu.memory_space<vmem>>, vector<1x16xi32>,
    %swap3A_534 = vector.shape_cast %swap3A_533 : vector<1x16xi32> to vector<16xi32>
    %swap3A_535 = vector.shape_cast %or3A_529 : vector<16xi32> to vector<1x16xi32>
    tpu.vector_store %arg6[%swap3A_531, %swap3A_532], %swap3A_535 {strides = array<i32>} : memref<4x128xi32, #tpu.memory_space<vmem>>, vector<1x16xi32>,
    %get3A_536 = arith.constant 368 : index
    %get3A_537 = tpu.vector_load %arg5[%get3A_536] {strides = array<i32>} : memref<512xi32, #tpu.memory_space<vmem>>, vector<16xi32>,
    %get3A_538 = vector.shape_cast %get3A_537 : vector<16xi32> to vector<16xi32>
    %shift_right_logical3A_539 = arith.constant 12 : i32
    %shift_right_logical3A_540 = vector.broadcast %shift_right_logical3A_539 : i32 to vector<16xi32>
    %shift_right_logical3A_541 = arith.shrui %get3A_538, %shift_right_logical3A_540 : vector<16xi32>
    %shift_left3A_542 = arith.constant 7 : i32
    %shift_left3A_543 = vector.broadcast %shift_left3A_542 : i32 to vector<16xi32>
    %shift_left3A_544 = arith.shli %shift_right_logical3A_541, %shift_left3A_543 : vector<16xi32>
    %shift_right_logical3A_545 = arith.constant 3 : i32
    %shift_right_logical3A_546 = vector.broadcast %shift_right_logical3A_545 : i32 to vector<16xi32>
    %shift_right_logical3A_547 = arith.shrui %get3A_538, %shift_right_logical3A_546 : vector<16xi32>
    %and3A_548 = arith.constant 127 : i32
    %and3A_549 = vector.broadcast %and3A_548 : i32 to vector<16xi32>
    %and3A_550 = arith.andi %shift_right_logical3A_547, %and3A_549 : vector<16xi32>
    %or3A_551 = arith.ori %shift_left3A_544, %and3A_550 : vector<16xi32>
    %swap3A_552 = arith.constant 2 : i32
    %swap3A_553 = arith.index_cast %swap3A_552 : i32 to index
    %swap3A_554 = arith.constant 112 : index
    %swap3A_555 = tpu.vector_load %arg6[%swap3A_553, %swap3A_554] {strides = array<i32>} : memref<4x128xi32, #tpu.memory_space<vmem>>, vector<1x16xi32>,
    %swap3A_556 = vector.shape_cast %swap3A_555 : vector<1x16xi32> to vector<16xi32>
    %swap3A_557 = vector.shape_cast %or3A_551 : vector<16xi32> to vector<1x16xi32>
    tpu.vector_store %arg6[%swap3A_553, %swap3A_554], %swap3A_557 {strides = array<i32>} : memref<4x128xi32, #tpu.memory_space<vmem>>, vector<1x16xi32>,
    %get3A_558 = arith.constant 384 : index
    %get3A_559 = tpu.vector_load %arg5[%get3A_558] {strides = array<i32>} : memref<512xi32, #tpu.memory_space<vmem>>, vector<16xi32>,
    %get3A_560 = vector.shape_cast %get3A_559 : vector<16xi32> to vector<16xi32>
    %shift_right_logical3A_561 = arith.constant 12 : i32
    %shift_right_logical3A_562 = vector.broadcast %shift_right_logical3A_561 : i32 to vector<16xi32>
    %shift_right_logical3A_563 = arith.shrui %get3A_560, %shift_right_logical3A_562 : vector<16xi32>
    %shift_left3A_564 = arith.constant 7 : i32
    %shift_left3A_565 = vector.broadcast %shift_left3A_564 : i32 to vector<16xi32>
    %shift_left3A_566 = arith.shli %shift_right_logical3A_563, %shift_left3A_565 : vector<16xi32>
    %shift_right_logical3A_567 = arith.constant 3 : i32
    %shift_right_logical3A_568 = vector.broadcast %shift_right_logical3A_567 : i32 to vector<16xi32>
    %shift_right_logical3A_569 = arith.shrui %get3A_560, %shift_right_logical3A_568 : vector<16xi32>
    %and3A_570 = arith.constant 127 : i32
    %and3A_571 = vector.broadcast %and3A_570 : i32 to vector<16xi32>
    %and3A_572 = arith.andi %shift_right_logical3A_569, %and3A_571 : vector<16xi32>
    %or3A_573 = arith.ori %shift_left3A_566, %and3A_572 : vector<16xi32>
    %swap3A_574 = arith.constant 3 : i32
    %swap3A_575 = arith.index_cast %swap3A_574 : i32 to index
    %swap3A_576 = arith.constant 0 : index
    %swap3A_577 = tpu.vector_load %arg6[%swap3A_575, %swap3A_576] {strides = array<i32>} : memref<4x128xi32, #tpu.memory_space<vmem>>, vector<1x16xi32>,
    %swap3A_578 = vector.shape_cast %swap3A_577 : vector<1x16xi32> to vector<16xi32>
    %swap3A_579 = vector.shape_cast %or3A_573 : vector<16xi32> to vector<1x16xi32>
    tpu.vector_store %arg6[%swap3A_575, %swap3A_576], %swap3A_579 {strides = array<i32>} : memref<4x128xi32, #tpu.memory_space<vmem>>, vector<1x16xi32>,
    %get3A_580 = arith.constant 400 : index
    %get3A_581 = tpu.vector_load %arg5[%get3A_580] {strides = array<i32>} : memref<512xi32, #tpu.memory_space<vmem>>, vector<16xi32>,
    %get3A_582 = vector.shape_cast %get3A_581 : vector<16xi32> to vector<16xi32>
    %shift_right_logical3A_583 = arith.constant 12 : i32
    %shift_right_logical3A_584 = vector.broadcast %shift_right_logical3A_583 : i32 to vector<16xi32>
    %shift_right_logical3A_585 = arith.shrui %get3A_582, %shift_right_logical3A_584 : vector<16xi32>
    %shift_left3A_586 = arith.constant 7 : i32
    %shift_left3A_587 = vector.broadcast %shift_left3A_586 : i32 to vector<16xi32>
    %shift_left3A_588 = arith.shli %shift_right_logical3A_585, %shift_left3A_587 : vector<16xi32>
    %shift_right_logical3A_589 = arith.constant 3 : i32
    %shift_right_logical3A_590 = vector.broadcast %shift_right_logical3A_589 : i32 to vector<16xi32>
    %shift_right_logical3A_591 = arith.shrui %get3A_582, %shift_right_logical3A_590 : vector<16xi32>
    %and3A_592 = arith.constant 127 : i32
    %and3A_593 = vector.broadcast %and3A_592 : i32 to vector<16xi32>
    %and3A_594 = arith.andi %shift_right_logical3A_591, %and3A_593 : vector<16xi32>
    %or3A_595 = arith.ori %shift_left3A_588, %and3A_594 : vector<16xi32>
    %swap3A_596 = arith.constant 3 : i32
    %swap3A_597 = arith.index_cast %swap3A_596 : i32 to index
    %swap3A_598 = arith.constant 16 : index
    %swap3A_599 = tpu.vector_load %arg6[%swap3A_597, %swap3A_598] {strides = array<i32>} : memref<4x128xi32, #tpu.memory_space<vmem>>, vector<1x16xi32>,
    %swap3A_600 = vector.shape_cast %swap3A_599 : vector<1x16xi32> to vector<16xi32>
    %swap3A_601 = vector.shape_cast %or3A_595 : vector<16xi32> to vector<1x16xi32>
    tpu.vector_store %arg6[%swap3A_597, %swap3A_598], %swap3A_601 {strides = array<i32>} : memref<4x128xi32, #tpu.memory_space<vmem>>, vector<1x16xi32>,
    %get3A_602 = arith.constant 416 : index
    %get3A_603 = tpu.vector_load %arg5[%get3A_602] {strides = array<i32>} : memref<512xi32, #tpu.memory_space<vmem>>, vector<16xi32>,
    %get3A_604 = vector.shape_cast %get3A_603 : vector<16xi32> to vector<16xi32>
    %shift_right_logical3A_605 = arith.constant 12 : i32
    %shift_right_logical3A_606 = vector.broadcast %shift_right_logical3A_605 : i32 to vector<16xi32>
    %shift_right_logical3A_607 = arith.shrui %get3A_604, %shift_right_logical3A_606 : vector<16xi32>
    %shift_left3A_608 = arith.constant 7 : i32
    %shift_left3A_609 = vector.broadcast %shift_left3A_608 : i32 to vector<16xi32>
    %shift_left3A_610 = arith.shli %shift_right_logical3A_607, %shift_left3A_609 : vector<16xi32>
    %shift_right_logical3A_611 = arith.constant 3 : i32
    %shift_right_logical3A_612 = vector.broadcast %shift_right_logical3A_611 : i32 to vector<16xi32>
    %shift_right_logical3A_613 = arith.shrui %get3A_604, %shift_right_logical3A_612 : vector<16xi32>
    %and3A_614 = arith.constant 127 : i32
    %and3A_615 = vector.broadcast %and3A_614 : i32 to vector<16xi32>
    %and3A_616 = arith.andi %shift_right_logical3A_613, %and3A_615 : vector<16xi32>
    %or3A_617 = arith.ori %shift_left3A_610, %and3A_616 : vector<16xi32>
    %swap3A_618 = arith.constant 3 : i32
    %swap3A_619 = arith.index_cast %swap3A_618 : i32 to index
    %swap3A_620 = arith.constant 32 : index
    %swap3A_621 = tpu.vector_load %arg6[%swap3A_619, %swap3A_620] {strides = array<i32>} : memref<4x128xi32, #tpu.memory_space<vmem>>, vector<1x16xi32>,
    %swap3A_622 = vector.shape_cast %swap3A_621 : vector<1x16xi32> to vector<16xi32>
    %swap3A_623 = vector.shape_cast %or3A_617 : vector<16xi32> to vector<1x16xi32>
    tpu.vector_store %arg6[%swap3A_619, %swap3A_620], %swap3A_623 {strides = array<i32>} : memref<4x128xi32, #tpu.memory_space<vmem>>, vector<1x16xi32>,
    %get3A_624 = arith.constant 432 : index
    %get3A_625 = tpu.vector_load %arg5[%get3A_624] {strides = array<i32>} : memref<512xi32, #tpu.memory_space<vmem>>, vector<16xi32>,
    %get3A_626 = vector.shape_cast %get3A_625 : vector<16xi32> to vector<16xi32>
    %shift_right_logical3A_627 = arith.constant 12 : i32
    %shift_right_logical3A_628 = vector.broadcast %shift_right_logical3A_627 : i32 to vector<16xi32>
    %shift_right_logical3A_629 = arith.shrui %get3A_626, %shift_right_logical3A_628 : vector<16xi32>
    %shift_left3A_630 = arith.constant 7 : i32
    %shift_left3A_631 = vector.broadcast %shift_left3A_630 : i32 to vector<16xi32>
    %shift_left3A_632 = arith.shli %shift_right_logical3A_629, %shift_left3A_631 : vector<16xi32>
    %shift_right_logical3A_633 = arith.constant 3 : i32
    %shift_right_logical3A_634 = vector.broadcast %shift_right_logical3A_633 : i32 to vector<16xi32>
    %shift_right_logical3A_635 = arith.shrui %get3A_626, %shift_right_logical3A_634 : vector<16xi32>
    %and3A_636 = arith.constant 127 : i32
    %and3A_637 = vector.broadcast %and3A_636 : i32 to vector<16xi32>
    %and3A_638 = arith.andi %shift_right_logical3A_635, %and3A_637 : vector<16xi32>
    %or3A_639 = arith.ori %shift_left3A_632, %and3A_638 : vector<16xi32>
    %swap3A_640 = arith.constant 3 : i32
    %swap3A_641 = arith.index_cast %swap3A_640 : i32 to index
    %swap3A_642 = arith.constant 48 : index
    %swap3A_643 = tpu.vector_load %arg6[%swap3A_641, %swap3A_642] {strides = array<i32>} : memref<4x128xi32, #tpu.memory_space<vmem>>, vector<1x16xi32>,
    %swap3A_644 = vector.shape_cast %swap3A_643 : vector<1x16xi32> to vector<16xi32>
    %swap3A_645 = vector.shape_cast %or3A_639 : vector<16xi32> to vector<1x16xi32>
    tpu.vector_store %arg6[%swap3A_641, %swap3A_642], %swap3A_645 {strides = array<i32>} : memref<4x128xi32, #tpu.memory_space<vmem>>, vector<1x16xi32>,
    %get3A_646 = arith.constant 448 : index
    %get3A_647 = tpu.vector_load %arg5[%get3A_646] {strides = array<i32>} : memref<512xi32, #tpu.memory_space<vmem>>, vector<16xi32>,
    %get3A_648 = vector.shape_cast %get3A_647 : vector<16xi32> to vector<16xi32>
    %shift_right_logical3A_649 = arith.constant 12 : i32
    %shift_right_logical3A_650 = vector.broadcast %shift_right_logical3A_649 : i32 to vector<16xi32>
    %shift_right_logical3A_651 = arith.shrui %get3A_648, %shift_right_logical3A_650 : vector<16xi32>
    %shift_left3A_652 = arith.constant 7 : i32
    %shift_left3A_653 = vector.broadcast %shift_left3A_652 : i32 to vector<16xi32>
    %shift_left3A_654 = arith.shli %shift_right_logical3A_651, %shift_left3A_653 : vector<16xi32>
    %shift_right_logical3A_655 = arith.constant 3 : i32
    %shift_right_logical3A_656 = vector.broadcast %shift_right_logical3A_655 : i32 to vector<16xi32>
    %shift_right_logical3A_657 = arith.shrui %get3A_648, %shift_right_logical3A_656 : vector<16xi32>
    %and3A_658 = arith.constant 127 : i32
    %and3A_659 = vector.broadcast %and3A_658 : i32 to vector<16xi32>
    %and3A_660 = arith.andi %shift_right_logical3A_657, %and3A_659 : vector<16xi32>
    %or3A_661 = arith.ori %shift_left3A_654, %and3A_660 : vector<16xi32>
    %swap3A_662 = arith.constant 3 : i32
    %swap3A_663 = arith.index_cast %swap3A_662 : i32 to index
    %swap3A_664 = arith.constant 64 : index
    %swap3A_665 = tpu.vector_load %arg6[%swap3A_663, %swap3A_664] {strides = array<i32>} : memref<4x128xi32, #tpu.memory_space<vmem>>, vector<1x16xi32>,
    %swap3A_666 = vector.shape_cast %swap3A_665 : vector<1x16xi32> to vector<16xi32>
    %swap3A_667 = vector.shape_cast %or3A_661 : vector<16xi32> to vector<1x16xi32>
    tpu.vector_store %arg6[%swap3A_663, %swap3A_664], %swap3A_667 {strides = array<i32>} : memref<4x128xi32, #tpu.memory_space<vmem>>, vector<1x16xi32>,
    %get3A_668 = arith.constant 464 : index
    %get3A_669 = tpu.vector_load %arg5[%get3A_668] {strides = array<i32>} : memref<512xi32, #tpu.memory_space<vmem>>, vector<16xi32>,
    %get3A_670 = vector.shape_cast %get3A_669 : vector<16xi32> to vector<16xi32>
    %shift_right_logical3A_671 = arith.constant 12 : i32
    %shift_right_logical3A_672 = vector.broadcast %shift_right_logical3A_671 : i32 to vector<16xi32>
    %shift_right_logical3A_673 = arith.shrui %get3A_670, %shift_right_logical3A_672 : vector<16xi32>
    %shift_left3A_674 = arith.constant 7 : i32
    %shift_left3A_675 = vector.broadcast %shift_left3A_674 : i32 to vector<16xi32>
    %shift_left3A_676 = arith.shli %shift_right_logical3A_673, %shift_left3A_675 : vector<16xi32>
    %shift_right_logical3A_677 = arith.constant 3 : i32
    %shift_right_logical3A_678 = vector.broadcast %shift_right_logical3A_677 : i32 to vector<16xi32>
    %shift_right_logical3A_679 = arith.shrui %get3A_670, %shift_right_logical3A_678 : vector<16xi32>
    %and3A_680 = arith.constant 127 : i32
    %and3A_681 = vector.broadcast %and3A_680 : i32 to vector<16xi32>
    %and3A_682 = arith.andi %shift_right_logical3A_679, %and3A_681 : vector<16xi32>
    %or3A_683 = arith.ori %shift_left3A_676, %and3A_682 : vector<16xi32>
    %swap3A_684 = arith.constant 3 : i32
    %swap3A_685 = arith.index_cast %swap3A_684 : i32 to index
    %swap3A_686 = arith.constant 80 : index
    %swap3A_687 = tpu.vector_load %arg6[%swap3A_685, %swap3A_686] {strides = array<i32>} : memref<4x128xi32, #tpu.memory_space<vmem>>, vector<1x16xi32>,
    %swap3A_688 = vector.shape_cast %swap3A_687 : vector<1x16xi32> to vector<16xi32>
    %swap3A_689 = vector.shape_cast %or3A_683 : vector<16xi32> to vector<1x16xi32>
    tpu.vector_store %arg6[%swap3A_685, %swap3A_686], %swap3A_689 {strides = array<i32>} : memref<4x128xi32, #tpu.memory_space<vmem>>, vector<1x16xi32>,
    %get3A_690 = arith.constant 480 : index
    %get3A_691 = tpu.vector_load %arg5[%get3A_690] {strides = array<i32>} : memref<512xi32, #tpu.memory_space<vmem>>, vector<16xi32>,
    %get3A_692 = vector.shape_cast %get3A_691 : vector<16xi32> to vector<16xi32>
    %shift_right_logical3A_693 = arith.constant 12 : i32
    %shift_right_logical3A_694 = vector.broadcast %shift_right_logical3A_693 : i32 to vector<16xi32>
    %shift_right_logical3A_695 = arith.shrui %get3A_692, %shift_right_logical3A_694 : vector<16xi32>
    %shift_left3A_696 = arith.constant 7 : i32
    %shift_left3A_697 = vector.broadcast %shift_left3A_696 : i32 to vector<16xi32>
    %shift_left3A_698 = arith.shli %shift_right_logical3A_695, %shift_left3A_697 : vector<16xi32>
    %shift_right_logical3A_699 = arith.constant 3 : i32
    %shift_right_logical3A_700 = vector.broadcast %shift_right_logical3A_699 : i32 to vector<16xi32>
    %shift_right_logical3A_701 = arith.shrui %get3A_692, %shift_right_logical3A_700 : vector<16xi32>
    %and3A_702 = arith.constant 127 : i32
    %and3A_703 = vector.broadcast %and3A_702 : i32 to vector<16xi32>
    %and3A_704 = arith.andi %shift_right_logical3A_701, %and3A_703 : vector<16xi32>
    %or3A_705 = arith.ori %shift_left3A_698, %and3A_704 : vector<16xi32>
    %swap3A_706 = arith.constant 3 : i32
    %swap3A_707 = arith.index_cast %swap3A_706 : i32 to index
    %swap3A_708 = arith.constant 96 : index
    %swap3A_709 = tpu.vector_load %arg6[%swap3A_707, %swap3A_708] {strides = array<i32>} : memref<4x128xi32, #tpu.memory_space<vmem>>, vector<1x16xi32>,
    %swap3A_710 = vector.shape_cast %swap3A_709 : vector<1x16xi32> to vector<16xi32>
    %swap3A_711 = vector.shape_cast %or3A_705 : vector<16xi32> to vector<1x16xi32>
    tpu.vector_store %arg6[%swap3A_707, %swap3A_708], %swap3A_711 {strides = array<i32>} : memref<4x128xi32, #tpu.memory_space<vmem>>, vector<1x16xi32>,
    %get3A_712 = arith.constant 496 : index
    %get3A_713 = tpu.vector_load %arg5[%get3A_712] {strides = array<i32>} : memref<512xi32, #tpu.memory_space<vmem>>, vector<16xi32>,
    %get3A_714 = vector.shape_cast %get3A_713 : vector<16xi32> to vector<16xi32>
    %shift_right_logical3A_715 = arith.constant 12 : i32
    %shift_right_logical3A_716 = vector.broadcast %shift_right_logical3A_715 : i32 to vector<16xi32>
    %shift_right_logical3A_717 = arith.shrui %get3A_714, %shift_right_logical3A_716 : vector<16xi32>
    %shift_left3A_718 = arith.constant 7 : i32
    %shift_left3A_719 = vector.broadcast %shift_left3A_718 : i32 to vector<16xi32>
    %shift_left3A_720 = arith.shli %shift_right_logical3A_717, %shift_left3A_719 : vector<16xi32>
    %shift_right_logical3A_721 = arith.constant 3 : i32
    %shift_right_logical3A_722 = vector.broadcast %shift_right_logical3A_721 : i32 to vector<16xi32>
    %shift_right_logical3A_723 = arith.shrui %get3A_714, %shift_right_logical3A_722 : vector<16xi32>
    %and3A_724 = arith.constant 127 : i32
    %and3A_725 = vector.broadcast %and3A_724 : i32 to vector<16xi32>
    %and3A_726 = arith.andi %shift_right_logical3A_723, %and3A_725 : vector<16xi32>
    %or3A_727 = arith.ori %shift_left3A_720, %and3A_726 : vector<16xi32>
    %swap3A_728 = arith.constant 3 : i32
    %swap3A_729 = arith.index_cast %swap3A_728 : i32 to index
    %swap3A_730 = arith.constant 112 : index
    %swap3A_731 = tpu.vector_load %arg6[%swap3A_729, %swap3A_730] {strides = array<i32>} : memref<4x128xi32, #tpu.memory_space<vmem>>, vector<1x16xi32>,
    %swap3A_732 = vector.shape_cast %swap3A_731 : vector<1x16xi32> to vector<16xi32>
    %swap3A_733 = vector.shape_cast %or3A_727 : vector<16xi32> to vector<1x16xi32>
    tpu.vector_store %arg6[%swap3A_729, %swap3A_730], %swap3A_733 {strides = array<i32>} : memref<4x128xi32, #tpu.memory_space<vmem>>, vector<1x16xi32>,
    %dma_start3A = arith.constant 0 : i32
    %dma_start3A_734 = arith.constant 0 : i32
    %dma_start3A_735 = arith.constant 0 : i32
    %dma_start3A_736 = tpu.memref_slice %arg7[%dma_start3A_734, %dma_start3A_735] : memref<4x128xi32, #tpu.memory_space<vmem>> -> memref<1x128xi32, #tpu.memory_space<vmem>>
    %dma_start3A_737 = tpu.memref_squeeze %dma_start3A_736 : memref<1x128xi32, #tpu.memory_space<vmem>> -> memref<128xi32, #tpu.memory_space<vmem>>
    %dma_start3A_738 = arith.constant 0 : i32
    %dma_start3A_739 = tpu.memref_slice %arg6[%dma_start3A, %dma_start3A_738] : memref<4x128xi32, #tpu.memory_space<vmem>> -> memref<1x128xi32, #tpu.memory_space<vmem>>
    %dma_start3A_740 = tpu.memref_squeeze %dma_start3A_739 : memref<1x128xi32, #tpu.memory_space<vmem>> -> memref<128xi32, #tpu.memory_space<vmem>>
    %dma_start3A_741 = arith.constant 0 : i32
    %dma_start3A_742 = tpu.memref_slice %arg3[%dma_start3A_741] : memref<524288xi32, #tpu.memory_space<hbm>> -> memref<524288xi32, #tpu.memory_space<hbm>>
    tpu.enqueue_indirect_dma source(%dma_start3A_742 : memref<524288xi32, #tpu.memory_space<hbm>>) target(%dma_start3A_737 : memref<128xi32, #tpu.memory_space<vmem>>) offsets(%dma_start3A_740 : memref<128xi32, #tpu.memory_space<vmem>>) semaphore(%arg9 : memref<!tpu.dma_semaphore, #tpu.memory_space<semaphore_mem>>)
    %dma_start3A_743 = arith.constant 1 : i32
    %dma_start3A_744 = arith.constant 1 : i32
    %dma_start3A_745 = arith.constant 0 : i32
    %dma_start3A_746 = tpu.memref_slice %arg7[%dma_start3A_744, %dma_start3A_745] : memref<4x128xi32, #tpu.memory_space<vmem>> -> memref<1x128xi32, #tpu.memory_space<vmem>>
    %dma_start3A_747 = tpu.memref_squeeze %dma_start3A_746 : memref<1x128xi32, #tpu.memory_space<vmem>> -> memref<128xi32, #tpu.memory_space<vmem>>
    %dma_start3A_748 = arith.constant 0 : i32
    %dma_start3A_749 = tpu.memref_slice %arg6[%dma_start3A_743, %dma_start3A_748] : memref<4x128xi32, #tpu.memory_space<vmem>> -> memref<1x128xi32, #tpu.memory_space<vmem>>
    %dma_start3A_750 = tpu.memref_squeeze %dma_start3A_749 : memref<1x128xi32, #tpu.memory_space<vmem>> -> memref<128xi32, #tpu.memory_space<vmem>>
    %dma_start3A_751 = arith.constant 0 : i32
    %dma_start3A_752 = tpu.memref_slice %arg3[%dma_start3A_751] : memref<524288xi32, #tpu.memory_space<hbm>> -> memref<524288xi32, #tpu.memory_space<hbm>>
    tpu.enqueue_indirect_dma source(%dma_start3A_752 : memref<524288xi32, #tpu.memory_space<hbm>>) target(%dma_start3A_747 : memref<128xi32, #tpu.memory_space<vmem>>) offsets(%dma_start3A_750 : memref<128xi32, #tpu.memory_space<vmem>>) semaphore(%arg9 : memref<!tpu.dma_semaphore, #tpu.memory_space<semaphore_mem>>)
    %dma_start3A_753 = arith.constant 2 : i32
    %dma_start3A_754 = arith.constant 2 : i32
    %dma_start3A_755 = arith.constant 0 : i32
    %dma_start3A_756 = tpu.memref_slice %arg7[%dma_start3A_754, %dma_start3A_755] : memref<4x128xi32, #tpu.memory_space<vmem>> -> memref<1x128xi32, #tpu.memory_space<vmem>>
    %dma_start3A_757 = tpu.memref_squeeze %dma_start3A_756 : memref<1x128xi32, #tpu.memory_space<vmem>> -> memref<128xi32, #tpu.memory_space<vmem>>
    %dma_start3A_758 = arith.constant 0 : i32
    %dma_start3A_759 = tpu.memref_slice %arg6[%dma_start3A_753, %dma_start3A_758] : memref<4x128xi32, #tpu.memory_space<vmem>> -> memref<1x128xi32, #tpu.memory_space<vmem>>
    %dma_start3A_760 = tpu.memref_squeeze %dma_start3A_759 : memref<1x128xi32, #tpu.memory_space<vmem>> -> memref<128xi32, #tpu.memory_space<vmem>>
    %dma_start3A_761 = arith.constant 0 : i32
    %dma_start3A_762 = tpu.memref_slice %arg3[%dma_start3A_761] : memref<524288xi32, #tpu.memory_space<hbm>> -> memref<524288xi32, #tpu.memory_space<hbm>>
    tpu.enqueue_indirect_dma source(%dma_start3A_762 : memref<524288xi32, #tpu.memory_space<hbm>>) target(%dma_start3A_757 : memref<128xi32, #tpu.memory_space<vmem>>) offsets(%dma_start3A_760 : memref<128xi32, #tpu.memory_space<vmem>>) semaphore(%arg9 : memref<!tpu.dma_semaphore, #tpu.memory_space<semaphore_mem>>)
    %dma_start3A_763 = arith.constant 3 : i32
    %dma_start3A_764 = arith.constant 3 : i32
    %dma_start3A_765 = arith.constant 0 : i32
    %dma_start3A_766 = tpu.memref_slice %arg7[%dma_start3A_764, %dma_start3A_765] : memref<4x128xi32, #tpu.memory_space<vmem>> -> memref<1x128xi32, #tpu.memory_space<vmem>>
    %dma_start3A_767 = tpu.memref_squeeze %dma_start3A_766 : memref<1x128xi32, #tpu.memory_space<vmem>> -> memref<128xi32, #tpu.memory_space<vmem>>
    %dma_start3A_768 = arith.constant 0 : i32
    %dma_start3A_769 = tpu.memref_slice %arg6[%dma_start3A_763, %dma_start3A_768] : memref<4x128xi32, #tpu.memory_space<vmem>> -> memref<1x128xi32, #tpu.memory_space<vmem>>
    %dma_start3A_770 = tpu.memref_squeeze %dma_start3A_769 : memref<1x128xi32, #tpu.memory_space<vmem>> -> memref<128xi32, #tpu.memory_space<vmem>>
    %dma_start3A_771 = arith.constant 0 : i32
    %dma_start3A_772 = tpu.memref_slice %arg3[%dma_start3A_771] : memref<524288xi32, #tpu.memory_space<hbm>> -> memref<524288xi32, #tpu.memory_space<hbm>>
    tpu.enqueue_indirect_dma source(%dma_start3A_772 : memref<524288xi32, #tpu.memory_space<hbm>>) target(%dma_start3A_767 : memref<128xi32, #tpu.memory_space<vmem>>) offsets(%dma_start3A_770 : memref<128xi32, #tpu.memory_space<vmem>>) semaphore(%arg9 : memref<!tpu.dma_semaphore, #tpu.memory_space<semaphore_mem>>)
    %dma_wait3A = arith.constant 0 : i32
    %dma_wait3A_773 = arith.constant 0 : i32
    %dma_wait3A_774 = arith.constant 0 : i32
    %dma_wait3A_775 = tpu.memref_slice %arg7[%dma_wait3A_773, %dma_wait3A_774] : memref<4x128xi32, #tpu.memory_space<vmem>> -> memref<1x128xi32, #tpu.memory_space<vmem>>
    %dma_wait3A_776 = tpu.memref_squeeze %dma_wait3A_775 : memref<1x128xi32, #tpu.memory_space<vmem>> -> memref<128xi32, #tpu.memory_space<vmem>>
    %dma_wait3A_777 = arith.constant 0 : i32
    %dma_wait3A_778 = tpu.memref_slice %arg6[%dma_wait3A, %dma_wait3A_777] : memref<4x128xi32, #tpu.memory_space<vmem>> -> memref<1x128xi32, #tpu.memory_space<vmem>>
    %dma_wait3A_779 = tpu.memref_squeeze %dma_wait3A_778 : memref<1x128xi32, #tpu.memory_space<vmem>> -> memref<128xi32, #tpu.memory_space<vmem>>
    %dma_wait3A_780 = arith.constant 0 : i32
    %dma_wait3A_781 = tpu.memref_slice %arg3[%dma_wait3A_780] : memref<524288xi32, #tpu.memory_space<hbm>> -> memref<524288xi32, #tpu.memory_space<hbm>>
    tpu.wait_indirect_dma semaphore(%arg9 : memref<!tpu.dma_semaphore, #tpu.memory_space<semaphore_mem>>) src(%dma_wait3A_781 : memref<524288xi32, #tpu.memory_space<hbm>>) dst(%dma_wait3A_776 : memref<128xi32, #tpu.memory_space<vmem>>)
    %dma_wait3A_782 = arith.constant 1 : i32
    %dma_wait3A_783 = arith.constant 1 : i32
    %dma_wait3A_784 = arith.constant 0 : i32
    %dma_wait3A_785 = tpu.memref_slice %arg7[%dma_wait3A_783, %dma_wait3A_784] : memref<4x128xi32, #tpu.memory_space<vmem>> -> memref<1x128xi32, #tpu.memory_space<vmem>>
    %dma_wait3A_786 = tpu.memref_squeeze %dma_wait3A_785 : memref<1x128xi32, #tpu.memory_space<vmem>> -> memref<128xi32, #tpu.memory_space<vmem>>
    %dma_wait3A_787 = arith.constant 0 : i32
    %dma_wait3A_788 = tpu.memref_slice %arg6[%dma_wait3A_782, %dma_wait3A_787] : memref<4x128xi32, #tpu.memory_space<vmem>> -> memref<1x128xi32, #tpu.memory_space<vmem>>
    %dma_wait3A_789 = tpu.memref_squeeze %dma_wait3A_788 : memref<1x128xi32, #tpu.memory_space<vmem>> -> memref<128xi32, #tpu.memory_space<vmem>>
    %dma_wait3A_790 = arith.constant 0 : i32
    %dma_wait3A_791 = tpu.memref_slice %arg3[%dma_wait3A_790] : memref<524288xi32, #tpu.memory_space<hbm>> -> memref<524288xi32, #tpu.memory_space<hbm>>
    tpu.wait_indirect_dma semaphore(%arg9 : memref<!tpu.dma_semaphore, #tpu.memory_space<semaphore_mem>>) src(%dma_wait3A_791 : memref<524288xi32, #tpu.memory_space<hbm>>) dst(%dma_wait3A_786 : memref<128xi32, #tpu.memory_space<vmem>>)
    %dma_wait3A_792 = arith.constant 2 : i32
    %dma_wait3A_793 = arith.constant 2 : i32
    %dma_wait3A_794 = arith.constant 0 : i32
    %dma_wait3A_795 = tpu.memref_slice %arg7[%dma_wait3A_793, %dma_wait3A_794] : memref<4x128xi32, #tpu.memory_space<vmem>> -> memref<1x128xi32, #tpu.memory_space<vmem>>
    %dma_wait3A_796 = tpu.memref_squeeze %dma_wait3A_795 : memref<1x128xi32, #tpu.memory_space<vmem>> -> memref<128xi32, #tpu.memory_space<vmem>>
    %dma_wait3A_797 = arith.constant 0 : i32
    %dma_wait3A_798 = tpu.memref_slice %arg6[%dma_wait3A_792, %dma_wait3A_797] : memref<4x128xi32, #tpu.memory_space<vmem>> -> memref<1x128xi32, #tpu.memory_space<vmem>>
    %dma_wait3A_799 = tpu.memref_squeeze %dma_wait3A_798 : memref<1x128xi32, #tpu.memory_space<vmem>> -> memref<128xi32, #tpu.memory_space<vmem>>
    %dma_wait3A_800 = arith.constant 0 : i32
    %dma_wait3A_801 = tpu.memref_slice %arg3[%dma_wait3A_800] : memref<524288xi32, #tpu.memory_space<hbm>> -> memref<524288xi32, #tpu.memory_space<hbm>>
    tpu.wait_indirect_dma semaphore(%arg9 : memref<!tpu.dma_semaphore, #tpu.memory_space<semaphore_mem>>) src(%dma_wait3A_801 : memref<524288xi32, #tpu.memory_space<hbm>>) dst(%dma_wait3A_796 : memref<128xi32, #tpu.memory_space<vmem>>)
    %dma_wait3A_802 = arith.constant 3 : i32
    %dma_wait3A_803 = arith.constant 3 : i32
    %dma_wait3A_804 = arith.constant 0 : i32
    %dma_wait3A_805 = tpu.memref_slice %arg7[%dma_wait3A_803, %dma_wait3A_804] : memref<4x128xi32, #tpu.memory_space<vmem>> -> memref<1x128xi32, #tpu.memory_space<vmem>>
    %dma_wait3A_806 = tpu.memref_squeeze %dma_wait3A_805 : memref<1x128xi32, #tpu.memory_space<vmem>> -> memref<128xi32, #tpu.memory_space<vmem>>
    %dma_wait3A_807 = arith.constant 0 : i32
    %dma_wait3A_808 = tpu.memref_slice %arg6[%dma_wait3A_802, %dma_wait3A_807] : memref<4x128xi32, #tpu.memory_space<vmem>> -> memref<1x128xi32, #tpu.memory_space<vmem>>
    %dma_wait3A_809 = tpu.memref_squeeze %dma_wait3A_808 : memref<1x128xi32, #tpu.memory_space<vmem>> -> memref<128xi32, #tpu.memory_space<vmem>>
    %dma_wait3A_810 = arith.constant 0 : i32
    %dma_wait3A_811 = tpu.memref_slice %arg3[%dma_wait3A_810] : memref<524288xi32, #tpu.memory_space<hbm>> -> memref<524288xi32, #tpu.memory_space<hbm>>
    tpu.wait_indirect_dma semaphore(%arg9 : memref<!tpu.dma_semaphore, #tpu.memory_space<semaphore_mem>>) src(%dma_wait3A_811 : memref<524288xi32, #tpu.memory_space<hbm>>) dst(%dma_wait3A_806 : memref<128xi32, #tpu.memory_space<vmem>>)
    %get3A_812 = arith.constant 0 : i32
    %get3A_813 = arith.index_cast %get3A_812 : i32 to index
    %get3A_814 = arith.constant 0 : index
    %get3A_815 = tpu.vector_load %arg7[%get3A_813, %get3A_814] {strides = array<i32>} : memref<4x128xi32, #tpu.memory_space<vmem>>, vector<1x16xi32>,
    %get3A_816 = vector.shape_cast %get3A_815 : vector<1x16xi32> to vector<16xi32>
    %get3A_817 = arith.constant 0 : index
    %get3A_818 = tpu.vector_load %arg5[%get3A_817] {strides = array<i32>} : memref<512xi32, #tpu.memory_space<vmem>>, vector<16xi32>,
    %get3A_819 = vector.shape_cast %get3A_818 : vector<16xi32> to vector<16xi32>
    %shift_right_logical3A_820 = arith.constant 10 : i32
    %shift_right_logical3A_821 = vector.broadcast %shift_right_logical3A_820 : i32 to vector<16xi32>
    %shift_right_logical3A_822 = arith.shrui %get3A_819, %shift_right_logical3A_821 : vector<16xi32>
    %and3A_823 = arith.constant 3 : i32
    %and3A_824 = vector.broadcast %and3A_823 : i32 to vector<16xi32>
    %and3A_825 = arith.andi %shift_right_logical3A_822, %and3A_824 : vector<16xi32>
    %shift_left3A_826 = arith.constant 3 : i32
    %shift_left3A_827 = vector.broadcast %shift_left3A_826 : i32 to vector<16xi32>
    %shift_left3A_828 = arith.shli %and3A_825, %shift_left3A_827 : vector<16xi32>
    %and3A_829 = arith.constant 7 : i32
    %and3A_830 = vector.broadcast %and3A_829 : i32 to vector<16xi32>
    %and3A_831 = arith.andi %get3A_819, %and3A_830 : vector<16xi32>
    %or3A_832 = arith.ori %shift_left3A_828, %and3A_831 : vector<16xi32>
    %shift_right_logical3A_833 = arith.shrui %get3A_816, %or3A_832 : vector<16xi32>
    %and3A_834 = arith.constant 1 : i32
    %and3A_835 = vector.broadcast %and3A_834 : i32 to vector<16xi32>
    %and3A_836 = arith.andi %shift_right_logical3A_833, %and3A_835 : vector<16xi32>
    %swap3A_837 = arith.constant 0 : index
    %swap3A_838 = tpu.vector_load %arg8[%swap3A_837] {strides = array<i32>} : memref<512xi32, #tpu.memory_space<vmem>>, vector<16xi32>,
    %swap3A_839 = vector.shape_cast %swap3A_838 : vector<16xi32> to vector<16xi32>
    %swap3A_840 = vector.shape_cast %and3A_836 : vector<16xi32> to vector<16xi32>
    tpu.vector_store %arg8[%swap3A_837], %swap3A_840 {strides = array<i32>} : memref<512xi32, #tpu.memory_space<vmem>>, vector<16xi32>,
    %get3A_841 = arith.constant 0 : i32
    %get3A_842 = arith.index_cast %get3A_841 : i32 to index
    %get3A_843 = arith.constant 16 : index
    %get3A_844 = tpu.vector_load %arg7[%get3A_842, %get3A_843] {strides = array<i32>} : memref<4x128xi32, #tpu.memory_space<vmem>>, vector<1x16xi32>,
    %get3A_845 = vector.shape_cast %get3A_844 : vector<1x16xi32> to vector<16xi32>
    %get3A_846 = arith.constant 16 : index
    %get3A_847 = tpu.vector_load %arg5[%get3A_846] {strides = array<i32>} : memref<512xi32, #tpu.memory_space<vmem>>, vector<16xi32>,
    %get3A_848 = vector.shape_cast %get3A_847 : vector<16xi32> to vector<16xi32>
    %shift_right_logical3A_849 = arith.constant 10 : i32
    %shift_right_logical3A_850 = vector.broadcast %shift_right_logical3A_849 : i32 to vector<16xi32>
    %shift_right_logical3A_851 = arith.shrui %get3A_848, %shift_right_logical3A_850 : vector<16xi32>
    %and3A_852 = arith.constant 3 : i32
    %and3A_853 = vector.broadcast %and3A_852 : i32 to vector<16xi32>
    %and3A_854 = arith.andi %shift_right_logical3A_851, %and3A_853 : vector<16xi32>
    %shift_left3A_855 = arith.constant 3 : i32
    %shift_left3A_856 = vector.broadcast %shift_left3A_855 : i32 to vector<16xi32>
    %shift_left3A_857 = arith.shli %and3A_854, %shift_left3A_856 : vector<16xi32>
    %and3A_858 = arith.constant 7 : i32
    %and3A_859 = vector.broadcast %and3A_858 : i32 to vector<16xi32>
    %and3A_860 = arith.andi %get3A_848, %and3A_859 : vector<16xi32>
    %or3A_861 = arith.ori %shift_left3A_857, %and3A_860 : vector<16xi32>
    %shift_right_logical3A_862 = arith.shrui %get3A_845, %or3A_861 : vector<16xi32>
    %and3A_863 = arith.constant 1 : i32
    %and3A_864 = vector.broadcast %and3A_863 : i32 to vector<16xi32>
    %and3A_865 = arith.andi %shift_right_logical3A_862, %and3A_864 : vector<16xi32>
    %swap3A_866 = arith.constant 16 : index
    %swap3A_867 = tpu.vector_load %arg8[%swap3A_866] {strides = array<i32>} : memref<512xi32, #tpu.memory_space<vmem>>, vector<16xi32>,
    %swap3A_868 = vector.shape_cast %swap3A_867 : vector<16xi32> to vector<16xi32>
    %swap3A_869 = vector.shape_cast %and3A_865 : vector<16xi32> to vector<16xi32>
    tpu.vector_store %arg8[%swap3A_866], %swap3A_869 {strides = array<i32>} : memref<512xi32, #tpu.memory_space<vmem>>, vector<16xi32>,
    %get3A_870 = arith.constant 0 : i32
    %get3A_871 = arith.index_cast %get3A_870 : i32 to index
    %get3A_872 = arith.constant 32 : index
    %get3A_873 = tpu.vector_load %arg7[%get3A_871, %get3A_872] {strides = array<i32>} : memref<4x128xi32, #tpu.memory_space<vmem>>, vector<1x16xi32>,
    %get3A_874 = vector.shape_cast %get3A_873 : vector<1x16xi32> to vector<16xi32>
    %get3A_875 = arith.constant 32 : index
    %get3A_876 = tpu.vector_load %arg5[%get3A_875] {strides = array<i32>} : memref<512xi32, #tpu.memory_space<vmem>>, vector<16xi32>,
    %get3A_877 = vector.shape_cast %get3A_876 : vector<16xi32> to vector<16xi32>
    %shift_right_logical3A_878 = arith.constant 10 : i32
    %shift_right_logical3A_879 = vector.broadcast %shift_right_logical3A_878 : i32 to vector<16xi32>
    %shift_right_logical3A_880 = arith.shrui %get3A_877, %shift_right_logical3A_879 : vector<16xi32>
    %and3A_881 = arith.constant 3 : i32
    %and3A_882 = vector.broadcast %and3A_881 : i32 to vector<16xi32>
    %and3A_883 = arith.andi %shift_right_logical3A_880, %and3A_882 : vector<16xi32>
    %shift_left3A_884 = arith.constant 3 : i32
    %shift_left3A_885 = vector.broadcast %shift_left3A_884 : i32 to vector<16xi32>
    %shift_left3A_886 = arith.shli %and3A_883, %shift_left3A_885 : vector<16xi32>
    %and3A_887 = arith.constant 7 : i32
    %and3A_888 = vector.broadcast %and3A_887 : i32 to vector<16xi32>
    %and3A_889 = arith.andi %get3A_877, %and3A_888 : vector<16xi32>
    %or3A_890 = arith.ori %shift_left3A_886, %and3A_889 : vector<16xi32>
    %shift_right_logical3A_891 = arith.shrui %get3A_874, %or3A_890 : vector<16xi32>
    %and3A_892 = arith.constant 1 : i32
    %and3A_893 = vector.broadcast %and3A_892 : i32 to vector<16xi32>
    %and3A_894 = arith.andi %shift_right_logical3A_891, %and3A_893 : vector<16xi32>
    %swap3A_895 = arith.constant 32 : index
    %swap3A_896 = tpu.vector_load %arg8[%swap3A_895] {strides = array<i32>} : memref<512xi32, #tpu.memory_space<vmem>>, vector<16xi32>,
    %swap3A_897 = vector.shape_cast %swap3A_896 : vector<16xi32> to vector<16xi32>
    %swap3A_898 = vector.shape_cast %and3A_894 : vector<16xi32> to vector<16xi32>
    tpu.vector_store %arg8[%swap3A_895], %swap3A_898 {strides = array<i32>} : memref<512xi32, #tpu.memory_space<vmem>>, vector<16xi32>,
    %get3A_899 = arith.constant 0 : i32
    %get3A_900 = arith.index_cast %get3A_899 : i32 to index
    %get3A_901 = arith.constant 48 : index
    %get3A_902 = tpu.vector_load %arg7[%get3A_900, %get3A_901] {strides = array<i32>} : memref<4x128xi32, #tpu.memory_space<vmem>>, vector<1x16xi32>,
    %get3A_903 = vector.shape_cast %get3A_902 : vector<1x16xi32> to vector<16xi32>
    %get3A_904 = arith.constant 48 : index
    %get3A_905 = tpu.vector_load %arg5[%get3A_904] {strides = array<i32>} : memref<512xi32, #tpu.memory_space<vmem>>, vector<16xi32>,
    %get3A_906 = vector.shape_cast %get3A_905 : vector<16xi32> to vector<16xi32>
    %shift_right_logical3A_907 = arith.constant 10 : i32
    %shift_right_logical3A_908 = vector.broadcast %shift_right_logical3A_907 : i32 to vector<16xi32>
    %shift_right_logical3A_909 = arith.shrui %get3A_906, %shift_right_logical3A_908 : vector<16xi32>
    %and3A_910 = arith.constant 3 : i32
    %and3A_911 = vector.broadcast %and3A_910 : i32 to vector<16xi32>
    %and3A_912 = arith.andi %shift_right_logical3A_909, %and3A_911 : vector<16xi32>
    %shift_left3A_913 = arith.constant 3 : i32
    %shift_left3A_914 = vector.broadcast %shift_left3A_913 : i32 to vector<16xi32>
    %shift_left3A_915 = arith.shli %and3A_912, %shift_left3A_914 : vector<16xi32>
    %and3A_916 = arith.constant 7 : i32
    %and3A_917 = vector.broadcast %and3A_916 : i32 to vector<16xi32>
    %and3A_918 = arith.andi %get3A_906, %and3A_917 : vector<16xi32>
    %or3A_919 = arith.ori %shift_left3A_915, %and3A_918 : vector<16xi32>
    %shift_right_logical3A_920 = arith.shrui %get3A_903, %or3A_919 : vector<16xi32>
    %and3A_921 = arith.constant 1 : i32
    %and3A_922 = vector.broadcast %and3A_921 : i32 to vector<16xi32>
    %and3A_923 = arith.andi %shift_right_logical3A_920, %and3A_922 : vector<16xi32>
    %swap3A_924 = arith.constant 48 : index
    %swap3A_925 = tpu.vector_load %arg8[%swap3A_924] {strides = array<i32>} : memref<512xi32, #tpu.memory_space<vmem>>, vector<16xi32>,
    %swap3A_926 = vector.shape_cast %swap3A_925 : vector<16xi32> to vector<16xi32>
    %swap3A_927 = vector.shape_cast %and3A_923 : vector<16xi32> to vector<16xi32>
    tpu.vector_store %arg8[%swap3A_924], %swap3A_927 {strides = array<i32>} : memref<512xi32, #tpu.memory_space<vmem>>, vector<16xi32>,
    %get3A_928 = arith.constant 0 : i32
    %get3A_929 = arith.index_cast %get3A_928 : i32 to index
    %get3A_930 = arith.constant 64 : index
    %get3A_931 = tpu.vector_load %arg7[%get3A_929, %get3A_930] {strides = array<i32>} : memref<4x128xi32, #tpu.memory_space<vmem>>, vector<1x16xi32>,
    %get3A_932 = vector.shape_cast %get3A_931 : vector<1x16xi32> to vector<16xi32>
    %get3A_933 = arith.constant 64 : index
    %get3A_934 = tpu.vector_load %arg5[%get3A_933] {strides = array<i32>} : memref<512xi32, #tpu.memory_space<vmem>>, vector<16xi32>,
    %get3A_935 = vector.shape_cast %get3A_934 : vector<16xi32> to vector<16xi32>
    %shift_right_logical3A_936 = arith.constant 10 : i32
    %shift_right_logical3A_937 = vector.broadcast %shift_right_logical3A_936 : i32 to vector<16xi32>
    %shift_right_logical3A_938 = arith.shrui %get3A_935, %shift_right_logical3A_937 : vector<16xi32>
    %and3A_939 = arith.constant 3 : i32
    %and3A_940 = vector.broadcast %and3A_939 : i32 to vector<16xi32>
    %and3A_941 = arith.andi %shift_right_logical3A_938, %and3A_940 : vector<16xi32>
    %shift_left3A_942 = arith.constant 3 : i32
    %shift_left3A_943 = vector.broadcast %shift_left3A_942 : i32 to vector<16xi32>
    %shift_left3A_944 = arith.shli %and3A_941, %shift_left3A_943 : vector<16xi32>
    %and3A_945 = arith.constant 7 : i32
    %and3A_946 = vector.broadcast %and3A_945 : i32 to vector<16xi32>
    %and3A_947 = arith.andi %get3A_935, %and3A_946 : vector<16xi32>
    %or3A_948 = arith.ori %shift_left3A_944, %and3A_947 : vector<16xi32>
    %shift_right_logical3A_949 = arith.shrui %get3A_932, %or3A_948 : vector<16xi32>
    %and3A_950 = arith.constant 1 : i32
    %and3A_951 = vector.broadcast %and3A_950 : i32 to vector<16xi32>
    %and3A_952 = arith.andi %shift_right_logical3A_949, %and3A_951 : vector<16xi32>
    %swap3A_953 = arith.constant 64 : index
    %swap3A_954 = tpu.vector_load %arg8[%swap3A_953] {strides = array<i32>} : memref<512xi32, #tpu.memory_space<vmem>>, vector<16xi32>,
    %swap3A_955 = vector.shape_cast %swap3A_954 : vector<16xi32> to vector<16xi32>
    %swap3A_956 = vector.shape_cast %and3A_952 : vector<16xi32> to vector<16xi32>
    tpu.vector_store %arg8[%swap3A_953], %swap3A_956 {strides = array<i32>} : memref<512xi32, #tpu.memory_space<vmem>>, vector<16xi32>,
    %get3A_957 = arith.constant 0 : i32
    %get3A_958 = arith.index_cast %get3A_957 : i32 to index
    %get3A_959 = arith.constant 80 : index
    %get3A_960 = tpu.vector_load %arg7[%get3A_958, %get3A_959] {strides = array<i32>} : memref<4x128xi32, #tpu.memory_space<vmem>>, vector<1x16xi32>,
    %get3A_961 = vector.shape_cast %get3A_960 : vector<1x16xi32> to vector<16xi32>
    %get3A_962 = arith.constant 80 : index
    %get3A_963 = tpu.vector_load %arg5[%get3A_962] {strides = array<i32>} : memref<512xi32, #tpu.memory_space<vmem>>, vector<16xi32>,
    %get3A_964 = vector.shape_cast %get3A_963 : vector<16xi32> to vector<16xi32>
    %shift_right_logical3A_965 = arith.constant 10 : i32
    %shift_right_logical3A_966 = vector.broadcast %shift_right_logical3A_965 : i32 to vector<16xi32>
    %shift_right_logical3A_967 = arith.shrui %get3A_964, %shift_right_logical3A_966 : vector<16xi32>
    %and3A_968 = arith.constant 3 : i32
    %and3A_969 = vector.broadcast %and3A_968 : i32 to vector<16xi32>
    %and3A_970 = arith.andi %shift_right_logical3A_967, %and3A_969 : vector<16xi32>
    %shift_left3A_971 = arith.constant 3 : i32
    %shift_left3A_972 = vector.broadcast %shift_left3A_971 : i32 to vector<16xi32>
    %shift_left3A_973 = arith.shli %and3A_970, %shift_left3A_972 : vector<16xi32>
    %and3A_974 = arith.constant 7 : i32
    %and3A_975 = vector.broadcast %and3A_974 : i32 to vector<16xi32>
    %and3A_976 = arith.andi %get3A_964, %and3A_975 : vector<16xi32>
    %or3A_977 = arith.ori %shift_left3A_973, %and3A_976 : vector<16xi32>
    %shift_right_logical3A_978 = arith.shrui %get3A_961, %or3A_977 : vector<16xi32>
    %and3A_979 = arith.constant 1 : i32
    %and3A_980 = vector.broadcast %and3A_979 : i32 to vector<16xi32>
    %and3A_981 = arith.andi %shift_right_logical3A_978, %and3A_980 : vector<16xi32>
    %swap3A_982 = arith.constant 80 : index
    %swap3A_983 = tpu.vector_load %arg8[%swap3A_982] {strides = array<i32>} : memref<512xi32, #tpu.memory_space<vmem>>, vector<16xi32>,
    %swap3A_984 = vector.shape_cast %swap3A_983 : vector<16xi32> to vector<16xi32>
    %swap3A_985 = vector.shape_cast %and3A_981 : vector<16xi32> to vector<16xi32>
    tpu.vector_store %arg8[%swap3A_982], %swap3A_985 {strides = array<i32>} : memref<512xi32, #tpu.memory_space<vmem>>, vector<16xi32>,
    %get3A_986 = arith.constant 0 : i32
    %get3A_987 = arith.index_cast %get3A_986 : i32 to index
    %get3A_988 = arith.constant 96 : index
    %get3A_989 = tpu.vector_load %arg7[%get3A_987, %get3A_988] {strides = array<i32>} : memref<4x128xi32, #tpu.memory_space<vmem>>, vector<1x16xi32>,
    %get3A_990 = vector.shape_cast %get3A_989 : vector<1x16xi32> to vector<16xi32>
    %get3A_991 = arith.constant 96 : index
    %get3A_992 = tpu.vector_load %arg5[%get3A_991] {strides = array<i32>} : memref<512xi32, #tpu.memory_space<vmem>>, vector<16xi32>,
    %get3A_993 = vector.shape_cast %get3A_992 : vector<16xi32> to vector<16xi32>
    %shift_right_logical3A_994 = arith.constant 10 : i32
    %shift_right_logical3A_995 = vector.broadcast %shift_right_logical3A_994 : i32 to vector<16xi32>
    %shift_right_logical3A_996 = arith.shrui %get3A_993, %shift_right_logical3A_995 : vector<16xi32>
    %and3A_997 = arith.constant 3 : i32
    %and3A_998 = vector.broadcast %and3A_997 : i32 to vector<16xi32>
    %and3A_999 = arith.andi %shift_right_logical3A_996, %and3A_998 : vector<16xi32>
    %shift_left3A_1000 = arith.constant 3 : i32
    %shift_left3A_1001 = vector.broadcast %shift_left3A_1000 : i32 to vector<16xi32>
    %shift_left3A_1002 = arith.shli %and3A_999, %shift_left3A_1001 : vector<16xi32>
    %and3A_1003 = arith.constant 7 : i32
    %and3A_1004 = vector.broadcast %and3A_1003 : i32 to vector<16xi32>
    %and3A_1005 = arith.andi %get3A_993, %and3A_1004 : vector<16xi32>
    %or3A_1006 = arith.ori %shift_left3A_1002, %and3A_1005 : vector<16xi32>
    %shift_right_logical3A_1007 = arith.shrui %get3A_990, %or3A_1006 : vector<16xi32>
    %and3A_1008 = arith.constant 1 : i32
    %and3A_1009 = vector.broadcast %and3A_1008 : i32 to vector<16xi32>
    %and3A_1010 = arith.andi %shift_right_logical3A_1007, %and3A_1009 : vector<16xi32>
    %swap3A_1011 = arith.constant 96 : index
    %swap3A_1012 = tpu.vector_load %arg8[%swap3A_1011] {strides = array<i32>} : memref<512xi32, #tpu.memory_space<vmem>>, vector<16xi32>,
    %swap3A_1013 = vector.shape_cast %swap3A_1012 : vector<16xi32> to vector<16xi32>
    %swap3A_1014 = vector.shape_cast %and3A_1010 : vector<16xi32> to vector<16xi32>
    tpu.vector_store %arg8[%swap3A_1011], %swap3A_1014 {strides = array<i32>} : memref<512xi32, #tpu.memory_space<vmem>>, vector<16xi32>,
    %get3A_1015 = arith.constant 0 : i32
    %get3A_1016 = arith.index_cast %get3A_1015 : i32 to index
    %get3A_1017 = arith.constant 112 : index
    %get3A_1018 = tpu.vector_load %arg7[%get3A_1016, %get3A_1017] {strides = array<i32>} : memref<4x128xi32, #tpu.memory_space<vmem>>, vector<1x16xi32>,
    %get3A_1019 = vector.shape_cast %get3A_1018 : vector<1x16xi32> to vector<16xi32>
    %get3A_1020 = arith.constant 112 : index
    %get3A_1021 = tpu.vector_load %arg5[%get3A_1020] {strides = array<i32>} : memref<512xi32, #tpu.memory_space<vmem>>, vector<16xi32>,
    %get3A_1022 = vector.shape_cast %get3A_1021 : vector<16xi32> to vector<16xi32>
    %shift_right_logical3A_1023 = arith.constant 10 : i32
    %shift_right_logical3A_1024 = vector.broadcast %shift_right_logical3A_1023 : i32 to vector<16xi32>
    %shift_right_logical3A_1025 = arith.shrui %get3A_1022, %shift_right_logical3A_1024 : vector<16xi32>
    %and3A_1026 = arith.constant 3 : i32
    %and3A_1027 = vector.broadcast %and3A_1026 : i32 to vector<16xi32>
    %and3A_1028 = arith.andi %shift_right_logical3A_1025, %and3A_1027 : vector<16xi32>
    %shift_left3A_1029 = arith.constant 3 : i32
    %shift_left3A_1030 = vector.broadcast %shift_left3A_1029 : i32 to vector<16xi32>
    %shift_left3A_1031 = arith.shli %and3A_1028, %shift_left3A_1030 : vector<16xi32>
    %and3A_1032 = arith.constant 7 : i32
    %and3A_1033 = vector.broadcast %and3A_1032 : i32 to vector<16xi32>
    %and3A_1034 = arith.andi %get3A_1022, %and3A_1033 : vector<16xi32>
    %or3A_1035 = arith.ori %shift_left3A_1031, %and3A_1034 : vector<16xi32>
    %shift_right_logical3A_1036 = arith.shrui %get3A_1019, %or3A_1035 : vector<16xi32>
    %and3A_1037 = arith.constant 1 : i32
    %and3A_1038 = vector.broadcast %and3A_1037 : i32 to vector<16xi32>
    %and3A_1039 = arith.andi %shift_right_logical3A_1036, %and3A_1038 : vector<16xi32>
    %swap3A_1040 = arith.constant 112 : index
    %swap3A_1041 = tpu.vector_load %arg8[%swap3A_1040] {strides = array<i32>} : memref<512xi32, #tpu.memory_space<vmem>>, vector<16xi32>,
    %swap3A_1042 = vector.shape_cast %swap3A_1041 : vector<16xi32> to vector<16xi32>
    %swap3A_1043 = vector.shape_cast %and3A_1039 : vector<16xi32> to vector<16xi32>
    tpu.vector_store %arg8[%swap3A_1040], %swap3A_1043 {strides = array<i32>} : memref<512xi32, #tpu.memory_space<vmem>>, vector<16xi32>,
    %get3A_1044 = arith.constant 1 : i32
    %get3A_1045 = arith.index_cast %get3A_1044 : i32 to index
    %get3A_1046 = arith.constant 0 : index
    %get3A_1047 = tpu.vector_load %arg7[%get3A_1045, %get3A_1046] {strides = array<i32>} : memref<4x128xi32, #tpu.memory_space<vmem>>, vector<1x16xi32>,
    %get3A_1048 = vector.shape_cast %get3A_1047 : vector<1x16xi32> to vector<16xi32>
    %get3A_1049 = arith.constant 128 : index
    %get3A_1050 = tpu.vector_load %arg5[%get3A_1049] {strides = array<i32>} : memref<512xi32, #tpu.memory_space<vmem>>, vector<16xi32>,
    %get3A_1051 = vector.shape_cast %get3A_1050 : vector<16xi32> to vector<16xi32>
    %shift_right_logical3A_1052 = arith.constant 10 : i32
    %shift_right_logical3A_1053 = vector.broadcast %shift_right_logical3A_1052 : i32 to vector<16xi32>
    %shift_right_logical3A_1054 = arith.shrui %get3A_1051, %shift_right_logical3A_1053 : vector<16xi32>
    %and3A_1055 = arith.constant 3 : i32
    %and3A_1056 = vector.broadcast %and3A_1055 : i32 to vector<16xi32>
    %and3A_1057 = arith.andi %shift_right_logical3A_1054, %and3A_1056 : vector<16xi32>
    %shift_left3A_1058 = arith.constant 3 : i32
    %shift_left3A_1059 = vector.broadcast %shift_left3A_1058 : i32 to vector<16xi32>
    %shift_left3A_1060 = arith.shli %and3A_1057, %shift_left3A_1059 : vector<16xi32>
    %and3A_1061 = arith.constant 7 : i32
    %and3A_1062 = vector.broadcast %and3A_1061 : i32 to vector<16xi32>
    %and3A_1063 = arith.andi %get3A_1051, %and3A_1062 : vector<16xi32>
    %or3A_1064 = arith.ori %shift_left3A_1060, %and3A_1063 : vector<16xi32>
    %shift_right_logical3A_1065 = arith.shrui %get3A_1048, %or3A_1064 : vector<16xi32>
    %and3A_1066 = arith.constant 1 : i32
    %and3A_1067 = vector.broadcast %and3A_1066 : i32 to vector<16xi32>
    %and3A_1068 = arith.andi %shift_right_logical3A_1065, %and3A_1067 : vector<16xi32>
    %swap3A_1069 = arith.constant 128 : index
    %swap3A_1070 = tpu.vector_load %arg8[%swap3A_1069] {strides = array<i32>} : memref<512xi32, #tpu.memory_space<vmem>>, vector<16xi32>,
    %swap3A_1071 = vector.shape_cast %swap3A_1070 : vector<16xi32> to vector<16xi32>
    %swap3A_1072 = vector.shape_cast %and3A_1068 : vector<16xi32> to vector<16xi32>
    tpu.vector_store %arg8[%swap3A_1069], %swap3A_1072 {strides = array<i32>} : memref<512xi32, #tpu.memory_space<vmem>>, vector<16xi32>,
    %get3A_1073 = arith.constant 1 : i32
    %get3A_1074 = arith.index_cast %get3A_1073 : i32 to index
    %get3A_1075 = arith.constant 16 : index
    %get3A_1076 = tpu.vector_load %arg7[%get3A_1074, %get3A_1075] {strides = array<i32>} : memref<4x128xi32, #tpu.memory_space<vmem>>, vector<1x16xi32>,
    %get3A_1077 = vector.shape_cast %get3A_1076 : vector<1x16xi32> to vector<16xi32>
    %get3A_1078 = arith.constant 144 : index
    %get3A_1079 = tpu.vector_load %arg5[%get3A_1078] {strides = array<i32>} : memref<512xi32, #tpu.memory_space<vmem>>, vector<16xi32>,
    %get3A_1080 = vector.shape_cast %get3A_1079 : vector<16xi32> to vector<16xi32>
    %shift_right_logical3A_1081 = arith.constant 10 : i32
    %shift_right_logical3A_1082 = vector.broadcast %shift_right_logical3A_1081 : i32 to vector<16xi32>
    %shift_right_logical3A_1083 = arith.shrui %get3A_1080, %shift_right_logical3A_1082 : vector<16xi32>
    %and3A_1084 = arith.constant 3 : i32
    %and3A_1085 = vector.broadcast %and3A_1084 : i32 to vector<16xi32>
    %and3A_1086 = arith.andi %shift_right_logical3A_1083, %and3A_1085 : vector<16xi32>
    %shift_left3A_1087 = arith.constant 3 : i32
    %shift_left3A_1088 = vector.broadcast %shift_left3A_1087 : i32 to vector<16xi32>
    %shift_left3A_1089 = arith.shli %and3A_1086, %shift_left3A_1088 : vector<16xi32>
    %and3A_1090 = arith.constant 7 : i32
    %and3A_1091 = vector.broadcast %and3A_1090 : i32 to vector<16xi32>
    %and3A_1092 = arith.andi %get3A_1080, %and3A_1091 : vector<16xi32>
    %or3A_1093 = arith.ori %shift_left3A_1089, %and3A_1092 : vector<16xi32>
    %shift_right_logical3A_1094 = arith.shrui %get3A_1077, %or3A_1093 : vector<16xi32>
    %and3A_1095 = arith.constant 1 : i32
    %and3A_1096 = vector.broadcast %and3A_1095 : i32 to vector<16xi32>
    %and3A_1097 = arith.andi %shift_right_logical3A_1094, %and3A_1096 : vector<16xi32>
    %swap3A_1098 = arith.constant 144 : index
    %swap3A_1099 = tpu.vector_load %arg8[%swap3A_1098] {strides = array<i32>} : memref<512xi32, #tpu.memory_space<vmem>>, vector<16xi32>,
    %swap3A_1100 = vector.shape_cast %swap3A_1099 : vector<16xi32> to vector<16xi32>
    %swap3A_1101 = vector.shape_cast %and3A_1097 : vector<16xi32> to vector<16xi32>
    tpu.vector_store %arg8[%swap3A_1098], %swap3A_1101 {strides = array<i32>} : memref<512xi32, #tpu.memory_space<vmem>>, vector<16xi32>,
    %get3A_1102 = arith.constant 1 : i32
    %get3A_1103 = arith.index_cast %get3A_1102 : i32 to index
    %get3A_1104 = arith.constant 32 : index
    %get3A_1105 = tpu.vector_load %arg7[%get3A_1103, %get3A_1104] {strides = array<i32>} : memref<4x128xi32, #tpu.memory_space<vmem>>, vector<1x16xi32>,
    %get3A_1106 = vector.shape_cast %get3A_1105 : vector<1x16xi32> to vector<16xi32>
    %get3A_1107 = arith.constant 160 : index
    %get3A_1108 = tpu.vector_load %arg5[%get3A_1107] {strides = array<i32>} : memref<512xi32, #tpu.memory_space<vmem>>, vector<16xi32>,
    %get3A_1109 = vector.shape_cast %get3A_1108 : vector<16xi32> to vector<16xi32>
    %shift_right_logical3A_1110 = arith.constant 10 : i32
    %shift_right_logical3A_1111 = vector.broadcast %shift_right_logical3A_1110 : i32 to vector<16xi32>
    %shift_right_logical3A_1112 = arith.shrui %get3A_1109, %shift_right_logical3A_1111 : vector<16xi32>
    %and3A_1113 = arith.constant 3 : i32
    %and3A_1114 = vector.broadcast %and3A_1113 : i32 to vector<16xi32>
    %and3A_1115 = arith.andi %shift_right_logical3A_1112, %and3A_1114 : vector<16xi32>
    %shift_left3A_1116 = arith.constant 3 : i32
    %shift_left3A_1117 = vector.broadcast %shift_left3A_1116 : i32 to vector<16xi32>
    %shift_left3A_1118 = arith.shli %and3A_1115, %shift_left3A_1117 : vector<16xi32>
    %and3A_1119 = arith.constant 7 : i32
    %and3A_1120 = vector.broadcast %and3A_1119 : i32 to vector<16xi32>
    %and3A_1121 = arith.andi %get3A_1109, %and3A_1120 : vector<16xi32>
    %or3A_1122 = arith.ori %shift_left3A_1118, %and3A_1121 : vector<16xi32>
    %shift_right_logical3A_1123 = arith.shrui %get3A_1106, %or3A_1122 : vector<16xi32>
    %and3A_1124 = arith.constant 1 : i32
    %and3A_1125 = vector.broadcast %and3A_1124 : i32 to vector<16xi32>
    %and3A_1126 = arith.andi %shift_right_logical3A_1123, %and3A_1125 : vector<16xi32>
    %swap3A_1127 = arith.constant 160 : index
    %swap3A_1128 = tpu.vector_load %arg8[%swap3A_1127] {strides = array<i32>} : memref<512xi32, #tpu.memory_space<vmem>>, vector<16xi32>,
    %swap3A_1129 = vector.shape_cast %swap3A_1128 : vector<16xi32> to vector<16xi32>
    %swap3A_1130 = vector.shape_cast %and3A_1126 : vector<16xi32> to vector<16xi32>
    tpu.vector_store %arg8[%swap3A_1127], %swap3A_1130 {strides = array<i32>} : memref<512xi32, #tpu.memory_space<vmem>>, vector<16xi32>,
    %get3A_1131 = arith.constant 1 : i32
    %get3A_1132 = arith.index_cast %get3A_1131 : i32 to index
    %get3A_1133 = arith.constant 48 : index
    %get3A_1134 = tpu.vector_load %arg7[%get3A_1132, %get3A_1133] {strides = array<i32>} : memref<4x128xi32, #tpu.memory_space<vmem>>, vector<1x16xi32>,
    %get3A_1135 = vector.shape_cast %get3A_1134 : vector<1x16xi32> to vector<16xi32>
    %get3A_1136 = arith.constant 176 : index
    %get3A_1137 = tpu.vector_load %arg5[%get3A_1136] {strides = array<i32>} : memref<512xi32, #tpu.memory_space<vmem>>, vector<16xi32>,
    %get3A_1138 = vector.shape_cast %get3A_1137 : vector<16xi32> to vector<16xi32>
    %shift_right_logical3A_1139 = arith.constant 10 : i32
    %shift_right_logical3A_1140 = vector.broadcast %shift_right_logical3A_1139 : i32 to vector<16xi32>
    %shift_right_logical3A_1141 = arith.shrui %get3A_1138, %shift_right_logical3A_1140 : vector<16xi32>
    %and3A_1142 = arith.constant 3 : i32
    %and3A_1143 = vector.broadcast %and3A_1142 : i32 to vector<16xi32>
    %and3A_1144 = arith.andi %shift_right_logical3A_1141, %and3A_1143 : vector<16xi32>
    %shift_left3A_1145 = arith.constant 3 : i32
    %shift_left3A_1146 = vector.broadcast %shift_left3A_1145 : i32 to vector<16xi32>
    %shift_left3A_1147 = arith.shli %and3A_1144, %shift_left3A_1146 : vector<16xi32>
    %and3A_1148 = arith.constant 7 : i32
    %and3A_1149 = vector.broadcast %and3A_1148 : i32 to vector<16xi32>
    %and3A_1150 = arith.andi %get3A_1138, %and3A_1149 : vector<16xi32>
    %or3A_1151 = arith.ori %shift_left3A_1147, %and3A_1150 : vector<16xi32>
    %shift_right_logical3A_1152 = arith.shrui %get3A_1135, %or3A_1151 : vector<16xi32>
    %and3A_1153 = arith.constant 1 : i32
    %and3A_1154 = vector.broadcast %and3A_1153 : i32 to vector<16xi32>
    %and3A_1155 = arith.andi %shift_right_logical3A_1152, %and3A_1154 : vector<16xi32>
    %swap3A_1156 = arith.constant 176 : index
    %swap3A_1157 = tpu.vector_load %arg8[%swap3A_1156] {strides = array<i32>} : memref<512xi32, #tpu.memory_space<vmem>>, vector<16xi32>,
    %swap3A_1158 = vector.shape_cast %swap3A_1157 : vector<16xi32> to vector<16xi32>
    %swap3A_1159 = vector.shape_cast %and3A_1155 : vector<16xi32> to vector<16xi32>
    tpu.vector_store %arg8[%swap3A_1156], %swap3A_1159 {strides = array<i32>} : memref<512xi32, #tpu.memory_space<vmem>>, vector<16xi32>,
    %get3A_1160 = arith.constant 1 : i32
    %get3A_1161 = arith.index_cast %get3A_1160 : i32 to index
    %get3A_1162 = arith.constant 64 : index
    %get3A_1163 = tpu.vector_load %arg7[%get3A_1161, %get3A_1162] {strides = array<i32>} : memref<4x128xi32, #tpu.memory_space<vmem>>, vector<1x16xi32>,
    %get3A_1164 = vector.shape_cast %get3A_1163 : vector<1x16xi32> to vector<16xi32>
    %get3A_1165 = arith.constant 192 : index
    %get3A_1166 = tpu.vector_load %arg5[%get3A_1165] {strides = array<i32>} : memref<512xi32, #tpu.memory_space<vmem>>, vector<16xi32>,
    %get3A_1167 = vector.shape_cast %get3A_1166 : vector<16xi32> to vector<16xi32>
    %shift_right_logical3A_1168 = arith.constant 10 : i32
    %shift_right_logical3A_1169 = vector.broadcast %shift_right_logical3A_1168 : i32 to vector<16xi32>
    %shift_right_logical3A_1170 = arith.shrui %get3A_1167, %shift_right_logical3A_1169 : vector<16xi32>
    %and3A_1171 = arith.constant 3 : i32
    %and3A_1172 = vector.broadcast %and3A_1171 : i32 to vector<16xi32>
    %and3A_1173 = arith.andi %shift_right_logical3A_1170, %and3A_1172 : vector<16xi32>
    %shift_left3A_1174 = arith.constant 3 : i32
    %shift_left3A_1175 = vector.broadcast %shift_left3A_1174 : i32 to vector<16xi32>
    %shift_left3A_1176 = arith.shli %and3A_1173, %shift_left3A_1175 : vector<16xi32>
    %and3A_1177 = arith.constant 7 : i32
    %and3A_1178 = vector.broadcast %and3A_1177 : i32 to vector<16xi32>
    %and3A_1179 = arith.andi %get3A_1167, %and3A_1178 : vector<16xi32>
    %or3A_1180 = arith.ori %shift_left3A_1176, %and3A_1179 : vector<16xi32>
    %shift_right_logical3A_1181 = arith.shrui %get3A_1164, %or3A_1180 : vector<16xi32>
    %and3A_1182 = arith.constant 1 : i32
    %and3A_1183 = vector.broadcast %and3A_1182 : i32 to vector<16xi32>
    %and3A_1184 = arith.andi %shift_right_logical3A_1181, %and3A_1183 : vector<16xi32>
    %swap3A_1185 = arith.constant 192 : index
    %swap3A_1186 = tpu.vector_load %arg8[%swap3A_1185] {strides = array<i32>} : memref<512xi32, #tpu.memory_space<vmem>>, vector<16xi32>,
    %swap3A_1187 = vector.shape_cast %swap3A_1186 : vector<16xi32> to vector<16xi32>
    %swap3A_1188 = vector.shape_cast %and3A_1184 : vector<16xi32> to vector<16xi32>
    tpu.vector_store %arg8[%swap3A_1185], %swap3A_1188 {strides = array<i32>} : memref<512xi32, #tpu.memory_space<vmem>>, vector<16xi32>,
    %get3A_1189 = arith.constant 1 : i32
    %get3A_1190 = arith.index_cast %get3A_1189 : i32 to index
    %get3A_1191 = arith.constant 80 : index
    %get3A_1192 = tpu.vector_load %arg7[%get3A_1190, %get3A_1191] {strides = array<i32>} : memref<4x128xi32, #tpu.memory_space<vmem>>, vector<1x16xi32>,
    %get3A_1193 = vector.shape_cast %get3A_1192 : vector<1x16xi32> to vector<16xi32>
    %get3A_1194 = arith.constant 208 : index
    %get3A_1195 = tpu.vector_load %arg5[%get3A_1194] {strides = array<i32>} : memref<512xi32, #tpu.memory_space<vmem>>, vector<16xi32>,
    %get3A_1196 = vector.shape_cast %get3A_1195 : vector<16xi32> to vector<16xi32>
    %shift_right_logical3A_1197 = arith.constant 10 : i32
    %shift_right_logical3A_1198 = vector.broadcast %shift_right_logical3A_1197 : i32 to vector<16xi32>
    %shift_right_logical3A_1199 = arith.shrui %get3A_1196, %shift_right_logical3A_1198 : vector<16xi32>
    %and3A_1200 = arith.constant 3 : i32
    %and3A_1201 = vector.broadcast %and3A_1200 : i32 to vector<16xi32>
    %and3A_1202 = arith.andi %shift_right_logical3A_1199, %and3A_1201 : vector<16xi32>
    %shift_left3A_1203 = arith.constant 3 : i32
    %shift_left3A_1204 = vector.broadcast %shift_left3A_1203 : i32 to vector<16xi32>
    %shift_left3A_1205 = arith.shli %and3A_1202, %shift_left3A_1204 : vector<16xi32>
    %and3A_1206 = arith.constant 7 : i32
    %and3A_1207 = vector.broadcast %and3A_1206 : i32 to vector<16xi32>
    %and3A_1208 = arith.andi %get3A_1196, %and3A_1207 : vector<16xi32>
    %or3A_1209 = arith.ori %shift_left3A_1205, %and3A_1208 : vector<16xi32>
    %shift_right_logical3A_1210 = arith.shrui %get3A_1193, %or3A_1209 : vector<16xi32>
    %and3A_1211 = arith.constant 1 : i32
    %and3A_1212 = vector.broadcast %and3A_1211 : i32 to vector<16xi32>
    %and3A_1213 = arith.andi %shift_right_logical3A_1210, %and3A_1212 : vector<16xi32>
    %swap3A_1214 = arith.constant 208 : index
    %swap3A_1215 = tpu.vector_load %arg8[%swap3A_1214] {strides = array<i32>} : memref<512xi32, #tpu.memory_space<vmem>>, vector<16xi32>,
    %swap3A_1216 = vector.shape_cast %swap3A_1215 : vector<16xi32> to vector<16xi32>
    %swap3A_1217 = vector.shape_cast %and3A_1213 : vector<16xi32> to vector<16xi32>
    tpu.vector_store %arg8[%swap3A_1214], %swap3A_1217 {strides = array<i32>} : memref<512xi32, #tpu.memory_space<vmem>>, vector<16xi32>,
    %get3A_1218 = arith.constant 1 : i32
    %get3A_1219 = arith.index_cast %get3A_1218 : i32 to index
    %get3A_1220 = arith.constant 96 : index
    %get3A_1221 = tpu.vector_load %arg7[%get3A_1219, %get3A_1220] {strides = array<i32>} : memref<4x128xi32, #tpu.memory_space<vmem>>, vector<1x16xi32>,
    %get3A_1222 = vector.shape_cast %get3A_1221 : vector<1x16xi32> to vector<16xi32>
    %get3A_1223 = arith.constant 224 : index
    %get3A_1224 = tpu.vector_load %arg5[%get3A_1223] {strides = array<i32>} : memref<512xi32, #tpu.memory_space<vmem>>, vector<16xi32>,
    %get3A_1225 = vector.shape_cast %get3A_1224 : vector<16xi32> to vector<16xi32>
    %shift_right_logical3A_1226 = arith.constant 10 : i32
    %shift_right_logical3A_1227 = vector.broadcast %shift_right_logical3A_1226 : i32 to vector<16xi32>
    %shift_right_logical3A_1228 = arith.shrui %get3A_1225, %shift_right_logical3A_1227 : vector<16xi32>
    %and3A_1229 = arith.constant 3 : i32
    %and3A_1230 = vector.broadcast %and3A_1229 : i32 to vector<16xi32>
    %and3A_1231 = arith.andi %shift_right_logical3A_1228, %and3A_1230 : vector<16xi32>
    %shift_left3A_1232 = arith.constant 3 : i32
    %shift_left3A_1233 = vector.broadcast %shift_left3A_1232 : i32 to vector<16xi32>
    %shift_left3A_1234 = arith.shli %and3A_1231, %shift_left3A_1233 : vector<16xi32>
    %and3A_1235 = arith.constant 7 : i32
    %and3A_1236 = vector.broadcast %and3A_1235 : i32 to vector<16xi32>
    %and3A_1237 = arith.andi %get3A_1225, %and3A_1236 : vector<16xi32>
    %or3A_1238 = arith.ori %shift_left3A_1234, %and3A_1237 : vector<16xi32>
    %shift_right_logical3A_1239 = arith.shrui %get3A_1222, %or3A_1238 : vector<16xi32>
    %and3A_1240 = arith.constant 1 : i32
    %and3A_1241 = vector.broadcast %and3A_1240 : i32 to vector<16xi32>
    %and3A_1242 = arith.andi %shift_right_logical3A_1239, %and3A_1241 : vector<16xi32>
    %swap3A_1243 = arith.constant 224 : index
    %swap3A_1244 = tpu.vector_load %arg8[%swap3A_1243] {strides = array<i32>} : memref<512xi32, #tpu.memory_space<vmem>>, vector<16xi32>,
    %swap3A_1245 = vector.shape_cast %swap3A_1244 : vector<16xi32> to vector<16xi32>
    %swap3A_1246 = vector.shape_cast %and3A_1242 : vector<16xi32> to vector<16xi32>
    tpu.vector_store %arg8[%swap3A_1243], %swap3A_1246 {strides = array<i32>} : memref<512xi32, #tpu.memory_space<vmem>>, vector<16xi32>,
    %get3A_1247 = arith.constant 1 : i32
    %get3A_1248 = arith.index_cast %get3A_1247 : i32 to index
    %get3A_1249 = arith.constant 112 : index
    %get3A_1250 = tpu.vector_load %arg7[%get3A_1248, %get3A_1249] {strides = array<i32>} : memref<4x128xi32, #tpu.memory_space<vmem>>, vector<1x16xi32>,
    %get3A_1251 = vector.shape_cast %get3A_1250 : vector<1x16xi32> to vector<16xi32>
    %get3A_1252 = arith.constant 240 : index
    %get3A_1253 = tpu.vector_load %arg5[%get3A_1252] {strides = array<i32>} : memref<512xi32, #tpu.memory_space<vmem>>, vector<16xi32>,
    %get3A_1254 = vector.shape_cast %get3A_1253 : vector<16xi32> to vector<16xi32>
    %shift_right_logical3A_1255 = arith.constant 10 : i32
    %shift_right_logical3A_1256 = vector.broadcast %shift_right_logical3A_1255 : i32 to vector<16xi32>
    %shift_right_logical3A_1257 = arith.shrui %get3A_1254, %shift_right_logical3A_1256 : vector<16xi32>
    %and3A_1258 = arith.constant 3 : i32
    %and3A_1259 = vector.broadcast %and3A_1258 : i32 to vector<16xi32>
    %and3A_1260 = arith.andi %shift_right_logical3A_1257, %and3A_1259 : vector<16xi32>
    %shift_left3A_1261 = arith.constant 3 : i32
    %shift_left3A_1262 = vector.broadcast %shift_left3A_1261 : i32 to vector<16xi32>
    %shift_left3A_1263 = arith.shli %and3A_1260, %shift_left3A_1262 : vector<16xi32>
    %and3A_1264 = arith.constant 7 : i32
    %and3A_1265 = vector.broadcast %and3A_1264 : i32 to vector<16xi32>
    %and3A_1266 = arith.andi %get3A_1254, %and3A_1265 : vector<16xi32>
    %or3A_1267 = arith.ori %shift_left3A_1263, %and3A_1266 : vector<16xi32>
    %shift_right_logical3A_1268 = arith.shrui %get3A_1251, %or3A_1267 : vector<16xi32>
    %and3A_1269 = arith.constant 1 : i32
    %and3A_1270 = vector.broadcast %and3A_1269 : i32 to vector<16xi32>
    %and3A_1271 = arith.andi %shift_right_logical3A_1268, %and3A_1270 : vector<16xi32>
    %swap3A_1272 = arith.constant 240 : index
    %swap3A_1273 = tpu.vector_load %arg8[%swap3A_1272] {strides = array<i32>} : memref<512xi32, #tpu.memory_space<vmem>>, vector<16xi32>,
    %swap3A_1274 = vector.shape_cast %swap3A_1273 : vector<16xi32> to vector<16xi32>
    %swap3A_1275 = vector.shape_cast %and3A_1271 : vector<16xi32> to vector<16xi32>
    tpu.vector_store %arg8[%swap3A_1272], %swap3A_1275 {strides = array<i32>} : memref<512xi32, #tpu.memory_space<vmem>>, vector<16xi32>,
    %get3A_1276 = arith.constant 2 : i32
    %get3A_1277 = arith.index_cast %get3A_1276 : i32 to index
    %get3A_1278 = arith.constant 0 : index
    %get3A_1279 = tpu.vector_load %arg7[%get3A_1277, %get3A_1278] {strides = array<i32>} : memref<4x128xi32, #tpu.memory_space<vmem>>, vector<1x16xi32>,
    %get3A_1280 = vector.shape_cast %get3A_1279 : vector<1x16xi32> to vector<16xi32>
    %get3A_1281 = arith.constant 256 : index
    %get3A_1282 = tpu.vector_load %arg5[%get3A_1281] {strides = array<i32>} : memref<512xi32, #tpu.memory_space<vmem>>, vector<16xi32>,
    %get3A_1283 = vector.shape_cast %get3A_1282 : vector<16xi32> to vector<16xi32>
    %shift_right_logical3A_1284 = arith.constant 10 : i32
    %shift_right_logical3A_1285 = vector.broadcast %shift_right_logical3A_1284 : i32 to vector<16xi32>
    %shift_right_logical3A_1286 = arith.shrui %get3A_1283, %shift_right_logical3A_1285 : vector<16xi32>
    %and3A_1287 = arith.constant 3 : i32
    %and3A_1288 = vector.broadcast %and3A_1287 : i32 to vector<16xi32>
    %and3A_1289 = arith.andi %shift_right_logical3A_1286, %and3A_1288 : vector<16xi32>
    %shift_left3A_1290 = arith.constant 3 : i32
    %shift_left3A_1291 = vector.broadcast %shift_left3A_1290 : i32 to vector<16xi32>
    %shift_left3A_1292 = arith.shli %and3A_1289, %shift_left3A_1291 : vector<16xi32>
    %and3A_1293 = arith.constant 7 : i32
    %and3A_1294 = vector.broadcast %and3A_1293 : i32 to vector<16xi32>
    %and3A_1295 = arith.andi %get3A_1283, %and3A_1294 : vector<16xi32>
    %or3A_1296 = arith.ori %shift_left3A_1292, %and3A_1295 : vector<16xi32>
    %shift_right_logical3A_1297 = arith.shrui %get3A_1280, %or3A_1296 : vector<16xi32>
    %and3A_1298 = arith.constant 1 : i32
    %and3A_1299 = vector.broadcast %and3A_1298 : i32 to vector<16xi32>
    %and3A_1300 = arith.andi %shift_right_logical3A_1297, %and3A_1299 : vector<16xi32>
    %swap3A_1301 = arith.constant 256 : index
    %swap3A_1302 = tpu.vector_load %arg8[%swap3A_1301] {strides = array<i32>} : memref<512xi32, #tpu.memory_space<vmem>>, vector<16xi32>,
    %swap3A_1303 = vector.shape_cast %swap3A_1302 : vector<16xi32> to vector<16xi32>
    %swap3A_1304 = vector.shape_cast %and3A_1300 : vector<16xi32> to vector<16xi32>
    tpu.vector_store %arg8[%swap3A_1301], %swap3A_1304 {strides = array<i32>} : memref<512xi32, #tpu.memory_space<vmem>>, vector<16xi32>,
    %get3A_1305 = arith.constant 2 : i32
    %get3A_1306 = arith.index_cast %get3A_1305 : i32 to index
    %get3A_1307 = arith.constant 16 : index
    %get3A_1308 = tpu.vector_load %arg7[%get3A_1306, %get3A_1307] {strides = array<i32>} : memref<4x128xi32, #tpu.memory_space<vmem>>, vector<1x16xi32>,
    %get3A_1309 = vector.shape_cast %get3A_1308 : vector<1x16xi32> to vector<16xi32>
    %get3A_1310 = arith.constant 272 : index
    %get3A_1311 = tpu.vector_load %arg5[%get3A_1310] {strides = array<i32>} : memref<512xi32, #tpu.memory_space<vmem>>, vector<16xi32>,
    %get3A_1312 = vector.shape_cast %get3A_1311 : vector<16xi32> to vector<16xi32>
    %shift_right_logical3A_1313 = arith.constant 10 : i32
    %shift_right_logical3A_1314 = vector.broadcast %shift_right_logical3A_1313 : i32 to vector<16xi32>
    %shift_right_logical3A_1315 = arith.shrui %get3A_1312, %shift_right_logical3A_1314 : vector<16xi32>
    %and3A_1316 = arith.constant 3 : i32
    %and3A_1317 = vector.broadcast %and3A_1316 : i32 to vector<16xi32>
    %and3A_1318 = arith.andi %shift_right_logical3A_1315, %and3A_1317 : vector<16xi32>
    %shift_left3A_1319 = arith.constant 3 : i32
    %shift_left3A_1320 = vector.broadcast %shift_left3A_1319 : i32 to vector<16xi32>
    %shift_left3A_1321 = arith.shli %and3A_1318, %shift_left3A_1320 : vector<16xi32>
    %and3A_1322 = arith.constant 7 : i32
    %and3A_1323 = vector.broadcast %and3A_1322 : i32 to vector<16xi32>
    %and3A_1324 = arith.andi %get3A_1312, %and3A_1323 : vector<16xi32>
    %or3A_1325 = arith.ori %shift_left3A_1321, %and3A_1324 : vector<16xi32>
    %shift_right_logical3A_1326 = arith.shrui %get3A_1309, %or3A_1325 : vector<16xi32>
    %and3A_1327 = arith.constant 1 : i32
    %and3A_1328 = vector.broadcast %and3A_1327 : i32 to vector<16xi32>
    %and3A_1329 = arith.andi %shift_right_logical3A_1326, %and3A_1328 : vector<16xi32>
    %swap3A_1330 = arith.constant 272 : index
    %swap3A_1331 = tpu.vector_load %arg8[%swap3A_1330] {strides = array<i32>} : memref<512xi32, #tpu.memory_space<vmem>>, vector<16xi32>,
    %swap3A_1332 = vector.shape_cast %swap3A_1331 : vector<16xi32> to vector<16xi32>
    %swap3A_1333 = vector.shape_cast %and3A_1329 : vector<16xi32> to vector<16xi32>
    tpu.vector_store %arg8[%swap3A_1330], %swap3A_1333 {strides = array<i32>} : memref<512xi32, #tpu.memory_space<vmem>>, vector<16xi32>,
    %get3A_1334 = arith.constant 2 : i32
    %get3A_1335 = arith.index_cast %get3A_1334 : i32 to index
    %get3A_1336 = arith.constant 32 : index
    %get3A_1337 = tpu.vector_load %arg7[%get3A_1335, %get3A_1336] {strides = array<i32>} : memref<4x128xi32, #tpu.memory_space<vmem>>, vector<1x16xi32>,
    %get3A_1338 = vector.shape_cast %get3A_1337 : vector<1x16xi32> to vector<16xi32>
    %get3A_1339 = arith.constant 288 : index
    %get3A_1340 = tpu.vector_load %arg5[%get3A_1339] {strides = array<i32>} : memref<512xi32, #tpu.memory_space<vmem>>, vector<16xi32>,
    %get3A_1341 = vector.shape_cast %get3A_1340 : vector<16xi32> to vector<16xi32>
    %shift_right_logical3A_1342 = arith.constant 10 : i32
    %shift_right_logical3A_1343 = vector.broadcast %shift_right_logical3A_1342 : i32 to vector<16xi32>
    %shift_right_logical3A_1344 = arith.shrui %get3A_1341, %shift_right_logical3A_1343 : vector<16xi32>
    %and3A_1345 = arith.constant 3 : i32
    %and3A_1346 = vector.broadcast %and3A_1345 : i32 to vector<16xi32>
    %and3A_1347 = arith.andi %shift_right_logical3A_1344, %and3A_1346 : vector<16xi32>
    %shift_left3A_1348 = arith.constant 3 : i32
    %shift_left3A_1349 = vector.broadcast %shift_left3A_1348 : i32 to vector<16xi32>
    %shift_left3A_1350 = arith.shli %and3A_1347, %shift_left3A_1349 : vector<16xi32>
    %and3A_1351 = arith.constant 7 : i32
    %and3A_1352 = vector.broadcast %and3A_1351 : i32 to vector<16xi32>
    %and3A_1353 = arith.andi %get3A_1341, %and3A_1352 : vector<16xi32>
    %or3A_1354 = arith.ori %shift_left3A_1350, %and3A_1353 : vector<16xi32>
    %shift_right_logical3A_1355 = arith.shrui %get3A_1338, %or3A_1354 : vector<16xi32>
    %and3A_1356 = arith.constant 1 : i32
    %and3A_1357 = vector.broadcast %and3A_1356 : i32 to vector<16xi32>
    %and3A_1358 = arith.andi %shift_right_logical3A_1355, %and3A_1357 : vector<16xi32>
    %swap3A_1359 = arith.constant 288 : index
    %swap3A_1360 = tpu.vector_load %arg8[%swap3A_1359] {strides = array<i32>} : memref<512xi32, #tpu.memory_space<vmem>>, vector<16xi32>,
    %swap3A_1361 = vector.shape_cast %swap3A_1360 : vector<16xi32> to vector<16xi32>
    %swap3A_1362 = vector.shape_cast %and3A_1358 : vector<16xi32> to vector<16xi32>
    tpu.vector_store %arg8[%swap3A_1359], %swap3A_1362 {strides = array<i32>} : memref<512xi32, #tpu.memory_space<vmem>>, vector<16xi32>,
    %get3A_1363 = arith.constant 2 : i32
    %get3A_1364 = arith.index_cast %get3A_1363 : i32 to index
    %get3A_1365 = arith.constant 48 : index
    %get3A_1366 = tpu.vector_load %arg7[%get3A_1364, %get3A_1365] {strides = array<i32>} : memref<4x128xi32, #tpu.memory_space<vmem>>, vector<1x16xi32>,
    %get3A_1367 = vector.shape_cast %get3A_1366 : vector<1x16xi32> to vector<16xi32>
    %get3A_1368 = arith.constant 304 : index
    %get3A_1369 = tpu.vector_load %arg5[%get3A_1368] {strides = array<i32>} : memref<512xi32, #tpu.memory_space<vmem>>, vector<16xi32>,
    %get3A_1370 = vector.shape_cast %get3A_1369 : vector<16xi32> to vector<16xi32>
    %shift_right_logical3A_1371 = arith.constant 10 : i32
    %shift_right_logical3A_1372 = vector.broadcast %shift_right_logical3A_1371 : i32 to vector<16xi32>
    %shift_right_logical3A_1373 = arith.shrui %get3A_1370, %shift_right_logical3A_1372 : vector<16xi32>
    %and3A_1374 = arith.constant 3 : i32
    %and3A_1375 = vector.broadcast %and3A_1374 : i32 to vector<16xi32>
    %and3A_1376 = arith.andi %shift_right_logical3A_1373, %and3A_1375 : vector<16xi32>
    %shift_left3A_1377 = arith.constant 3 : i32
    %shift_left3A_1378 = vector.broadcast %shift_left3A_1377 : i32 to vector<16xi32>
    %shift_left3A_1379 = arith.shli %and3A_1376, %shift_left3A_1378 : vector<16xi32>
    %and3A_1380 = arith.constant 7 : i32
    %and3A_1381 = vector.broadcast %and3A_1380 : i32 to vector<16xi32>
    %and3A_1382 = arith.andi %get3A_1370, %and3A_1381 : vector<16xi32>
    %or3A_1383 = arith.ori %shift_left3A_1379, %and3A_1382 : vector<16xi32>
    %shift_right_logical3A_1384 = arith.shrui %get3A_1367, %or3A_1383 : vector<16xi32>
    %and3A_1385 = arith.constant 1 : i32
    %and3A_1386 = vector.broadcast %and3A_1385 : i32 to vector<16xi32>
    %and3A_1387 = arith.andi %shift_right_logical3A_1384, %and3A_1386 : vector<16xi32>
    %swap3A_1388 = arith.constant 304 : index
    %swap3A_1389 = tpu.vector_load %arg8[%swap3A_1388] {strides = array<i32>} : memref<512xi32, #tpu.memory_space<vmem>>, vector<16xi32>,
    %swap3A_1390 = vector.shape_cast %swap3A_1389 : vector<16xi32> to vector<16xi32>
    %swap3A_1391 = vector.shape_cast %and3A_1387 : vector<16xi32> to vector<16xi32>
    tpu.vector_store %arg8[%swap3A_1388], %swap3A_1391 {strides = array<i32>} : memref<512xi32, #tpu.memory_space<vmem>>, vector<16xi32>,
    %get3A_1392 = arith.constant 2 : i32
    %get3A_1393 = arith.index_cast %get3A_1392 : i32 to index
    %get3A_1394 = arith.constant 64 : index
    %get3A_1395 = tpu.vector_load %arg7[%get3A_1393, %get3A_1394] {strides = array<i32>} : memref<4x128xi32, #tpu.memory_space<vmem>>, vector<1x16xi32>,
    %get3A_1396 = vector.shape_cast %get3A_1395 : vector<1x16xi32> to vector<16xi32>
    %get3A_1397 = arith.constant 320 : index
    %get3A_1398 = tpu.vector_load %arg5[%get3A_1397] {strides = array<i32>} : memref<512xi32, #tpu.memory_space<vmem>>, vector<16xi32>,
    %get3A_1399 = vector.shape_cast %get3A_1398 : vector<16xi32> to vector<16xi32>
    %shift_right_logical3A_1400 = arith.constant 10 : i32
    %shift_right_logical3A_1401 = vector.broadcast %shift_right_logical3A_1400 : i32 to vector<16xi32>
    %shift_right_logical3A_1402 = arith.shrui %get3A_1399, %shift_right_logical3A_1401 : vector<16xi32>
    %and3A_1403 = arith.constant 3 : i32
    %and3A_1404 = vector.broadcast %and3A_1403 : i32 to vector<16xi32>
    %and3A_1405 = arith.andi %shift_right_logical3A_1402, %and3A_1404 : vector<16xi32>
    %shift_left3A_1406 = arith.constant 3 : i32
    %shift_left3A_1407 = vector.broadcast %shift_left3A_1406 : i32 to vector<16xi32>
    %shift_left3A_1408 = arith.shli %and3A_1405, %shift_left3A_1407 : vector<16xi32>
    %and3A_1409 = arith.constant 7 : i32
    %and3A_1410 = vector.broadcast %and3A_1409 : i32 to vector<16xi32>
    %and3A_1411 = arith.andi %get3A_1399, %and3A_1410 : vector<16xi32>
    %or3A_1412 = arith.ori %shift_left3A_1408, %and3A_1411 : vector<16xi32>
    %shift_right_logical3A_1413 = arith.shrui %get3A_1396, %or3A_1412 : vector<16xi32>
    %and3A_1414 = arith.constant 1 : i32
    %and3A_1415 = vector.broadcast %and3A_1414 : i32 to vector<16xi32>
    %and3A_1416 = arith.andi %shift_right_logical3A_1413, %and3A_1415 : vector<16xi32>
    %swap3A_1417 = arith.constant 320 : index
    %swap3A_1418 = tpu.vector_load %arg8[%swap3A_1417] {strides = array<i32>} : memref<512xi32, #tpu.memory_space<vmem>>, vector<16xi32>,
    %swap3A_1419 = vector.shape_cast %swap3A_1418 : vector<16xi32> to vector<16xi32>
    %swap3A_1420 = vector.shape_cast %and3A_1416 : vector<16xi32> to vector<16xi32>
    tpu.vector_store %arg8[%swap3A_1417], %swap3A_1420 {strides = array<i32>} : memref<512xi32, #tpu.memory_space<vmem>>, vector<16xi32>,
    %get3A_1421 = arith.constant 2 : i32
    %get3A_1422 = arith.index_cast %get3A_1421 : i32 to index
    %get3A_1423 = arith.constant 80 : index
    %get3A_1424 = tpu.vector_load %arg7[%get3A_1422, %get3A_1423] {strides = array<i32>} : memref<4x128xi32, #tpu.memory_space<vmem>>, vector<1x16xi32>,
    %get3A_1425 = vector.shape_cast %get3A_1424 : vector<1x16xi32> to vector<16xi32>
    %get3A_1426 = arith.constant 336 : index
    %get3A_1427 = tpu.vector_load %arg5[%get3A_1426] {strides = array<i32>} : memref<512xi32, #tpu.memory_space<vmem>>, vector<16xi32>,
    %get3A_1428 = vector.shape_cast %get3A_1427 : vector<16xi32> to vector<16xi32>
    %shift_right_logical3A_1429 = arith.constant 10 : i32
    %shift_right_logical3A_1430 = vector.broadcast %shift_right_logical3A_1429 : i32 to vector<16xi32>
    %shift_right_logical3A_1431 = arith.shrui %get3A_1428, %shift_right_logical3A_1430 : vector<16xi32>
    %and3A_1432 = arith.constant 3 : i32
    %and3A_1433 = vector.broadcast %and3A_1432 : i32 to vector<16xi32>
    %and3A_1434 = arith.andi %shift_right_logical3A_1431, %and3A_1433 : vector<16xi32>
    %shift_left3A_1435 = arith.constant 3 : i32
    %shift_left3A_1436 = vector.broadcast %shift_left3A_1435 : i32 to vector<16xi32>
    %shift_left3A_1437 = arith.shli %and3A_1434, %shift_left3A_1436 : vector<16xi32>
    %and3A_1438 = arith.constant 7 : i32
    %and3A_1439 = vector.broadcast %and3A_1438 : i32 to vector<16xi32>
    %and3A_1440 = arith.andi %get3A_1428, %and3A_1439 : vector<16xi32>
    %or3A_1441 = arith.ori %shift_left3A_1437, %and3A_1440 : vector<16xi32>
    %shift_right_logical3A_1442 = arith.shrui %get3A_1425, %or3A_1441 : vector<16xi32>
    %and3A_1443 = arith.constant 1 : i32
    %and3A_1444 = vector.broadcast %and3A_1443 : i32 to vector<16xi32>
    %and3A_1445 = arith.andi %shift_right_logical3A_1442, %and3A_1444 : vector<16xi32>
    %swap3A_1446 = arith.constant 336 : index
    %swap3A_1447 = tpu.vector_load %arg8[%swap3A_1446] {strides = array<i32>} : memref<512xi32, #tpu.memory_space<vmem>>, vector<16xi32>,
    %swap3A_1448 = vector.shape_cast %swap3A_1447 : vector<16xi32> to vector<16xi32>
    %swap3A_1449 = vector.shape_cast %and3A_1445 : vector<16xi32> to vector<16xi32>
    tpu.vector_store %arg8[%swap3A_1446], %swap3A_1449 {strides = array<i32>} : memref<512xi32, #tpu.memory_space<vmem>>, vector<16xi32>,
    %get3A_1450 = arith.constant 2 : i32
    %get3A_1451 = arith.index_cast %get3A_1450 : i32 to index
    %get3A_1452 = arith.constant 96 : index
    %get3A_1453 = tpu.vector_load %arg7[%get3A_1451, %get3A_1452] {strides = array<i32>} : memref<4x128xi32, #tpu.memory_space<vmem>>, vector<1x16xi32>,
    %get3A_1454 = vector.shape_cast %get3A_1453 : vector<1x16xi32> to vector<16xi32>
    %get3A_1455 = arith.constant 352 : index
    %get3A_1456 = tpu.vector_load %arg5[%get3A_1455] {strides = array<i32>} : memref<512xi32, #tpu.memory_space<vmem>>, vector<16xi32>,
    %get3A_1457 = vector.shape_cast %get3A_1456 : vector<16xi32> to vector<16xi32>
    %shift_right_logical3A_1458 = arith.constant 10 : i32
    %shift_right_logical3A_1459 = vector.broadcast %shift_right_logical3A_1458 : i32 to vector<16xi32>
    %shift_right_logical3A_1460 = arith.shrui %get3A_1457, %shift_right_logical3A_1459 : vector<16xi32>
    %and3A_1461 = arith.constant 3 : i32
    %and3A_1462 = vector.broadcast %and3A_1461 : i32 to vector<16xi32>
    %and3A_1463 = arith.andi %shift_right_logical3A_1460, %and3A_1462 : vector<16xi32>
    %shift_left3A_1464 = arith.constant 3 : i32
    %shift_left3A_1465 = vector.broadcast %shift_left3A_1464 : i32 to vector<16xi32>
    %shift_left3A_1466 = arith.shli %and3A_1463, %shift_left3A_1465 : vector<16xi32>
    %and3A_1467 = arith.constant 7 : i32
    %and3A_1468 = vector.broadcast %and3A_1467 : i32 to vector<16xi32>
    %and3A_1469 = arith.andi %get3A_1457, %and3A_1468 : vector<16xi32>
    %or3A_1470 = arith.ori %shift_left3A_1466, %and3A_1469 : vector<16xi32>
    %shift_right_logical3A_1471 = arith.shrui %get3A_1454, %or3A_1470 : vector<16xi32>
    %and3A_1472 = arith.constant 1 : i32
    %and3A_1473 = vector.broadcast %and3A_1472 : i32 to vector<16xi32>
    %and3A_1474 = arith.andi %shift_right_logical3A_1471, %and3A_1473 : vector<16xi32>
    %swap3A_1475 = arith.constant 352 : index
    %swap3A_1476 = tpu.vector_load %arg8[%swap3A_1475] {strides = array<i32>} : memref<512xi32, #tpu.memory_space<vmem>>, vector<16xi32>,
    %swap3A_1477 = vector.shape_cast %swap3A_1476 : vector<16xi32> to vector<16xi32>
    %swap3A_1478 = vector.shape_cast %and3A_1474 : vector<16xi32> to vector<16xi32>
    tpu.vector_store %arg8[%swap3A_1475], %swap3A_1478 {strides = array<i32>} : memref<512xi32, #tpu.memory_space<vmem>>, vector<16xi32>,
    %get3A_1479 = arith.constant 2 : i32
    %get3A_1480 = arith.index_cast %get3A_1479 : i32 to index
    %get3A_1481 = arith.constant 112 : index
    %get3A_1482 = tpu.vector_load %arg7[%get3A_1480, %get3A_1481] {strides = array<i32>} : memref<4x128xi32, #tpu.memory_space<vmem>>, vector<1x16xi32>,
    %get3A_1483 = vector.shape_cast %get3A_1482 : vector<1x16xi32> to vector<16xi32>
    %get3A_1484 = arith.constant 368 : index
    %get3A_1485 = tpu.vector_load %arg5[%get3A_1484] {strides = array<i32>} : memref<512xi32, #tpu.memory_space<vmem>>, vector<16xi32>,
    %get3A_1486 = vector.shape_cast %get3A_1485 : vector<16xi32> to vector<16xi32>
    %shift_right_logical3A_1487 = arith.constant 10 : i32
    %shift_right_logical3A_1488 = vector.broadcast %shift_right_logical3A_1487 : i32 to vector<16xi32>
    %shift_right_logical3A_1489 = arith.shrui %get3A_1486, %shift_right_logical3A_1488 : vector<16xi32>
    %and3A_1490 = arith.constant 3 : i32
    %and3A_1491 = vector.broadcast %and3A_1490 : i32 to vector<16xi32>
    %and3A_1492 = arith.andi %shift_right_logical3A_1489, %and3A_1491 : vector<16xi32>
    %shift_left3A_1493 = arith.constant 3 : i32
    %shift_left3A_1494 = vector.broadcast %shift_left3A_1493 : i32 to vector<16xi32>
    %shift_left3A_1495 = arith.shli %and3A_1492, %shift_left3A_1494 : vector<16xi32>
    %and3A_1496 = arith.constant 7 : i32
    %and3A_1497 = vector.broadcast %and3A_1496 : i32 to vector<16xi32>
    %and3A_1498 = arith.andi %get3A_1486, %and3A_1497 : vector<16xi32>
    %or3A_1499 = arith.ori %shift_left3A_1495, %and3A_1498 : vector<16xi32>
    %shift_right_logical3A_1500 = arith.shrui %get3A_1483, %or3A_1499 : vector<16xi32>
    %and3A_1501 = arith.constant 1 : i32
    %and3A_1502 = vector.broadcast %and3A_1501 : i32 to vector<16xi32>
    %and3A_1503 = arith.andi %shift_right_logical3A_1500, %and3A_1502 : vector<16xi32>
    %swap3A_1504 = arith.constant 368 : index
    %swap3A_1505 = tpu.vector_load %arg8[%swap3A_1504] {strides = array<i32>} : memref<512xi32, #tpu.memory_space<vmem>>, vector<16xi32>,
    %swap3A_1506 = vector.shape_cast %swap3A_1505 : vector<16xi32> to vector<16xi32>
    %swap3A_1507 = vector.shape_cast %and3A_1503 : vector<16xi32> to vector<16xi32>
    tpu.vector_store %arg8[%swap3A_1504], %swap3A_1507 {strides = array<i32>} : memref<512xi32, #tpu.memory_space<vmem>>, vector<16xi32>,
    %get3A_1508 = arith.constant 3 : i32
    %get3A_1509 = arith.index_cast %get3A_1508 : i32 to index
    %get3A_1510 = arith.constant 0 : index
    %get3A_1511 = tpu.vector_load %arg7[%get3A_1509, %get3A_1510] {strides = array<i32>} : memref<4x128xi32, #tpu.memory_space<vmem>>, vector<1x16xi32>,
    %get3A_1512 = vector.shape_cast %get3A_1511 : vector<1x16xi32> to vector<16xi32>
    %get3A_1513 = arith.constant 384 : index
    %get3A_1514 = tpu.vector_load %arg5[%get3A_1513] {strides = array<i32>} : memref<512xi32, #tpu.memory_space<vmem>>, vector<16xi32>,
    %get3A_1515 = vector.shape_cast %get3A_1514 : vector<16xi32> to vector<16xi32>
    %shift_right_logical3A_1516 = arith.constant 10 : i32
    %shift_right_logical3A_1517 = vector.broadcast %shift_right_logical3A_1516 : i32 to vector<16xi32>
    %shift_right_logical3A_1518 = arith.shrui %get3A_1515, %shift_right_logical3A_1517 : vector<16xi32>
    %and3A_1519 = arith.constant 3 : i32
    %and3A_1520 = vector.broadcast %and3A_1519 : i32 to vector<16xi32>
    %and3A_1521 = arith.andi %shift_right_logical3A_1518, %and3A_1520 : vector<16xi32>
    %shift_left3A_1522 = arith.constant 3 : i32
    %shift_left3A_1523 = vector.broadcast %shift_left3A_1522 : i32 to vector<16xi32>
    %shift_left3A_1524 = arith.shli %and3A_1521, %shift_left3A_1523 : vector<16xi32>
    %and3A_1525 = arith.constant 7 : i32
    %and3A_1526 = vector.broadcast %and3A_1525 : i32 to vector<16xi32>
    %and3A_1527 = arith.andi %get3A_1515, %and3A_1526 : vector<16xi32>
    %or3A_1528 = arith.ori %shift_left3A_1524, %and3A_1527 : vector<16xi32>
    %shift_right_logical3A_1529 = arith.shrui %get3A_1512, %or3A_1528 : vector<16xi32>
    %and3A_1530 = arith.constant 1 : i32
    %and3A_1531 = vector.broadcast %and3A_1530 : i32 to vector<16xi32>
    %and3A_1532 = arith.andi %shift_right_logical3A_1529, %and3A_1531 : vector<16xi32>
    %swap3A_1533 = arith.constant 384 : index
    %swap3A_1534 = tpu.vector_load %arg8[%swap3A_1533] {strides = array<i32>} : memref<512xi32, #tpu.memory_space<vmem>>, vector<16xi32>,
    %swap3A_1535 = vector.shape_cast %swap3A_1534 : vector<16xi32> to vector<16xi32>
    %swap3A_1536 = vector.shape_cast %and3A_1532 : vector<16xi32> to vector<16xi32>
    tpu.vector_store %arg8[%swap3A_1533], %swap3A_1536 {strides = array<i32>} : memref<512xi32, #tpu.memory_space<vmem>>, vector<16xi32>,
    %get3A_1537 = arith.constant 3 : i32
    %get3A_1538 = arith.index_cast %get3A_1537 : i32 to index
    %get3A_1539 = arith.constant 16 : index
    %get3A_1540 = tpu.vector_load %arg7[%get3A_1538, %get3A_1539] {strides = array<i32>} : memref<4x128xi32, #tpu.memory_space<vmem>>, vector<1x16xi32>,
    %get3A_1541 = vector.shape_cast %get3A_1540 : vector<1x16xi32> to vector<16xi32>
    %get3A_1542 = arith.constant 400 : index
    %get3A_1543 = tpu.vector_load %arg5[%get3A_1542] {strides = array<i32>} : memref<512xi32, #tpu.memory_space<vmem>>, vector<16xi32>,
    %get3A_1544 = vector.shape_cast %get3A_1543 : vector<16xi32> to vector<16xi32>
    %shift_right_logical3A_1545 = arith.constant 10 : i32
    %shift_right_logical3A_1546 = vector.broadcast %shift_right_logical3A_1545 : i32 to vector<16xi32>
    %shift_right_logical3A_1547 = arith.shrui %get3A_1544, %shift_right_logical3A_1546 : vector<16xi32>
    %and3A_1548 = arith.constant 3 : i32
    %and3A_1549 = vector.broadcast %and3A_1548 : i32 to vector<16xi32>
    %and3A_1550 = arith.andi %shift_right_logical3A_1547, %and3A_1549 : vector<16xi32>
    %shift_left3A_1551 = arith.constant 3 : i32
    %shift_left3A_1552 = vector.broadcast %shift_left3A_1551 : i32 to vector<16xi32>
    %shift_left3A_1553 = arith.shli %and3A_1550, %shift_left3A_1552 : vector<16xi32>
    %and3A_1554 = arith.constant 7 : i32
    %and3A_1555 = vector.broadcast %and3A_1554 : i32 to vector<16xi32>
    %and3A_1556 = arith.andi %get3A_1544, %and3A_1555 : vector<16xi32>
    %or3A_1557 = arith.ori %shift_left3A_1553, %and3A_1556 : vector<16xi32>
    %shift_right_logical3A_1558 = arith.shrui %get3A_1541, %or3A_1557 : vector<16xi32>
    %and3A_1559 = arith.constant 1 : i32
    %and3A_1560 = vector.broadcast %and3A_1559 : i32 to vector<16xi32>
    %and3A_1561 = arith.andi %shift_right_logical3A_1558, %and3A_1560 : vector<16xi32>
    %swap3A_1562 = arith.constant 400 : index
    %swap3A_1563 = tpu.vector_load %arg8[%swap3A_1562] {strides = array<i32>} : memref<512xi32, #tpu.memory_space<vmem>>, vector<16xi32>,
    %swap3A_1564 = vector.shape_cast %swap3A_1563 : vector<16xi32> to vector<16xi32>
    %swap3A_1565 = vector.shape_cast %and3A_1561 : vector<16xi32> to vector<16xi32>
    tpu.vector_store %arg8[%swap3A_1562], %swap3A_1565 {strides = array<i32>} : memref<512xi32, #tpu.memory_space<vmem>>, vector<16xi32>,
    %get3A_1566 = arith.constant 3 : i32
    %get3A_1567 = arith.index_cast %get3A_1566 : i32 to index
    %get3A_1568 = arith.constant 32 : index
    %get3A_1569 = tpu.vector_load %arg7[%get3A_1567, %get3A_1568] {strides = array<i32>} : memref<4x128xi32, #tpu.memory_space<vmem>>, vector<1x16xi32>,
    %get3A_1570 = vector.shape_cast %get3A_1569 : vector<1x16xi32> to vector<16xi32>
    %get3A_1571 = arith.constant 416 : index
    %get3A_1572 = tpu.vector_load %arg5[%get3A_1571] {strides = array<i32>} : memref<512xi32, #tpu.memory_space<vmem>>, vector<16xi32>,
    %get3A_1573 = vector.shape_cast %get3A_1572 : vector<16xi32> to vector<16xi32>
    %shift_right_logical3A_1574 = arith.constant 10 : i32
    %shift_right_logical3A_1575 = vector.broadcast %shift_right_logical3A_1574 : i32 to vector<16xi32>
    %shift_right_logical3A_1576 = arith.shrui %get3A_1573, %shift_right_logical3A_1575 : vector<16xi32>
    %and3A_1577 = arith.constant 3 : i32
    %and3A_1578 = vector.broadcast %and3A_1577 : i32 to vector<16xi32>
    %and3A_1579 = arith.andi %shift_right_logical3A_1576, %and3A_1578 : vector<16xi32>
    %shift_left3A_1580 = arith.constant 3 : i32
    %shift_left3A_1581 = vector.broadcast %shift_left3A_1580 : i32 to vector<16xi32>
    %shift_left3A_1582 = arith.shli %and3A_1579, %shift_left3A_1581 : vector<16xi32>
    %and3A_1583 = arith.constant 7 : i32
    %and3A_1584 = vector.broadcast %and3A_1583 : i32 to vector<16xi32>
    %and3A_1585 = arith.andi %get3A_1573, %and3A_1584 : vector<16xi32>
    %or3A_1586 = arith.ori %shift_left3A_1582, %and3A_1585 : vector<16xi32>
    %shift_right_logical3A_1587 = arith.shrui %get3A_1570, %or3A_1586 : vector<16xi32>
    %and3A_1588 = arith.constant 1 : i32
    %and3A_1589 = vector.broadcast %and3A_1588 : i32 to vector<16xi32>
    %and3A_1590 = arith.andi %shift_right_logical3A_1587, %and3A_1589 : vector<16xi32>
    %swap3A_1591 = arith.constant 416 : index
    %swap3A_1592 = tpu.vector_load %arg8[%swap3A_1591] {strides = array<i32>} : memref<512xi32, #tpu.memory_space<vmem>>, vector<16xi32>,
    %swap3A_1593 = vector.shape_cast %swap3A_1592 : vector<16xi32> to vector<16xi32>
    %swap3A_1594 = vector.shape_cast %and3A_1590 : vector<16xi32> to vector<16xi32>
    tpu.vector_store %arg8[%swap3A_1591], %swap3A_1594 {strides = array<i32>} : memref<512xi32, #tpu.memory_space<vmem>>, vector<16xi32>,
    %get3A_1595 = arith.constant 3 : i32
    %get3A_1596 = arith.index_cast %get3A_1595 : i32 to index
    %get3A_1597 = arith.constant 48 : index
    %get3A_1598 = tpu.vector_load %arg7[%get3A_1596, %get3A_1597] {strides = array<i32>} : memref<4x128xi32, #tpu.memory_space<vmem>>, vector<1x16xi32>,
    %get3A_1599 = vector.shape_cast %get3A_1598 : vector<1x16xi32> to vector<16xi32>
    %get3A_1600 = arith.constant 432 : index
    %get3A_1601 = tpu.vector_load %arg5[%get3A_1600] {strides = array<i32>} : memref<512xi32, #tpu.memory_space<vmem>>, vector<16xi32>,
    %get3A_1602 = vector.shape_cast %get3A_1601 : vector<16xi32> to vector<16xi32>
    %shift_right_logical3A_1603 = arith.constant 10 : i32
    %shift_right_logical3A_1604 = vector.broadcast %shift_right_logical3A_1603 : i32 to vector<16xi32>
    %shift_right_logical3A_1605 = arith.shrui %get3A_1602, %shift_right_logical3A_1604 : vector<16xi32>
    %and3A_1606 = arith.constant 3 : i32
    %and3A_1607 = vector.broadcast %and3A_1606 : i32 to vector<16xi32>
    %and3A_1608 = arith.andi %shift_right_logical3A_1605, %and3A_1607 : vector<16xi32>
    %shift_left3A_1609 = arith.constant 3 : i32
    %shift_left3A_1610 = vector.broadcast %shift_left3A_1609 : i32 to vector<16xi32>
    %shift_left3A_1611 = arith.shli %and3A_1608, %shift_left3A_1610 : vector<16xi32>
    %and3A_1612 = arith.constant 7 : i32
    %and3A_1613 = vector.broadcast %and3A_1612 : i32 to vector<16xi32>
    %and3A_1614 = arith.andi %get3A_1602, %and3A_1613 : vector<16xi32>
    %or3A_1615 = arith.ori %shift_left3A_1611, %and3A_1614 : vector<16xi32>
    %shift_right_logical3A_1616 = arith.shrui %get3A_1599, %or3A_1615 : vector<16xi32>
    %and3A_1617 = arith.constant 1 : i32
    %and3A_1618 = vector.broadcast %and3A_1617 : i32 to vector<16xi32>
    %and3A_1619 = arith.andi %shift_right_logical3A_1616, %and3A_1618 : vector<16xi32>
    %swap3A_1620 = arith.constant 432 : index
    %swap3A_1621 = tpu.vector_load %arg8[%swap3A_1620] {strides = array<i32>} : memref<512xi32, #tpu.memory_space<vmem>>, vector<16xi32>,
    %swap3A_1622 = vector.shape_cast %swap3A_1621 : vector<16xi32> to vector<16xi32>
    %swap3A_1623 = vector.shape_cast %and3A_1619 : vector<16xi32> to vector<16xi32>
    tpu.vector_store %arg8[%swap3A_1620], %swap3A_1623 {strides = array<i32>} : memref<512xi32, #tpu.memory_space<vmem>>, vector<16xi32>,
    %get3A_1624 = arith.constant 3 : i32
    %get3A_1625 = arith.index_cast %get3A_1624 : i32 to index
    %get3A_1626 = arith.constant 64 : index
    %get3A_1627 = tpu.vector_load %arg7[%get3A_1625, %get3A_1626] {strides = array<i32>} : memref<4x128xi32, #tpu.memory_space<vmem>>, vector<1x16xi32>,
    %get3A_1628 = vector.shape_cast %get3A_1627 : vector<1x16xi32> to vector<16xi32>
    %get3A_1629 = arith.constant 448 : index
    %get3A_1630 = tpu.vector_load %arg5[%get3A_1629] {strides = array<i32>} : memref<512xi32, #tpu.memory_space<vmem>>, vector<16xi32>,
    %get3A_1631 = vector.shape_cast %get3A_1630 : vector<16xi32> to vector<16xi32>
    %shift_right_logical3A_1632 = arith.constant 10 : i32
    %shift_right_logical3A_1633 = vector.broadcast %shift_right_logical3A_1632 : i32 to vector<16xi32>
    %shift_right_logical3A_1634 = arith.shrui %get3A_1631, %shift_right_logical3A_1633 : vector<16xi32>
    %and3A_1635 = arith.constant 3 : i32
    %and3A_1636 = vector.broadcast %and3A_1635 : i32 to vector<16xi32>
    %and3A_1637 = arith.andi %shift_right_logical3A_1634, %and3A_1636 : vector<16xi32>
    %shift_left3A_1638 = arith.constant 3 : i32
    %shift_left3A_1639 = vector.broadcast %shift_left3A_1638 : i32 to vector<16xi32>
    %shift_left3A_1640 = arith.shli %and3A_1637, %shift_left3A_1639 : vector<16xi32>
    %and3A_1641 = arith.constant 7 : i32
    %and3A_1642 = vector.broadcast %and3A_1641 : i32 to vector<16xi32>
    %and3A_1643 = arith.andi %get3A_1631, %and3A_1642 : vector<16xi32>
    %or3A_1644 = arith.ori %shift_left3A_1640, %and3A_1643 : vector<16xi32>
    %shift_right_logical3A_1645 = arith.shrui %get3A_1628, %or3A_1644 : vector<16xi32>
    %and3A_1646 = arith.constant 1 : i32
    %and3A_1647 = vector.broadcast %and3A_1646 : i32 to vector<16xi32>
    %and3A_1648 = arith.andi %shift_right_logical3A_1645, %and3A_1647 : vector<16xi32>
    %swap3A_1649 = arith.constant 448 : index
    %swap3A_1650 = tpu.vector_load %arg8[%swap3A_1649] {strides = array<i32>} : memref<512xi32, #tpu.memory_space<vmem>>, vector<16xi32>,
    %swap3A_1651 = vector.shape_cast %swap3A_1650 : vector<16xi32> to vector<16xi32>
    %swap3A_1652 = vector.shape_cast %and3A_1648 : vector<16xi32> to vector<16xi32>
    tpu.vector_store %arg8[%swap3A_1649], %swap3A_1652 {strides = array<i32>} : memref<512xi32, #tpu.memory_space<vmem>>, vector<16xi32>,
    %get3A_1653 = arith.constant 3 : i32
    %get3A_1654 = arith.index_cast %get3A_1653 : i32 to index
    %get3A_1655 = arith.constant 80 : index
    %get3A_1656 = tpu.vector_load %arg7[%get3A_1654, %get3A_1655] {strides = array<i32>} : memref<4x128xi32, #tpu.memory_space<vmem>>, vector<1x16xi32>,
    %get3A_1657 = vector.shape_cast %get3A_1656 : vector<1x16xi32> to vector<16xi32>
    %get3A_1658 = arith.constant 464 : index
    %get3A_1659 = tpu.vector_load %arg5[%get3A_1658] {strides = array<i32>} : memref<512xi32, #tpu.memory_space<vmem>>, vector<16xi32>,
    %get3A_1660 = vector.shape_cast %get3A_1659 : vector<16xi32> to vector<16xi32>
    %shift_right_logical3A_1661 = arith.constant 10 : i32
    %shift_right_logical3A_1662 = vector.broadcast %shift_right_logical3A_1661 : i32 to vector<16xi32>
    %shift_right_logical3A_1663 = arith.shrui %get3A_1660, %shift_right_logical3A_1662 : vector<16xi32>
    %and3A_1664 = arith.constant 3 : i32
    %and3A_1665 = vector.broadcast %and3A_1664 : i32 to vector<16xi32>
    %and3A_1666 = arith.andi %shift_right_logical3A_1663, %and3A_1665 : vector<16xi32>
    %shift_left3A_1667 = arith.constant 3 : i32
    %shift_left3A_1668 = vector.broadcast %shift_left3A_1667 : i32 to vector<16xi32>
    %shift_left3A_1669 = arith.shli %and3A_1666, %shift_left3A_1668 : vector<16xi32>
    %and3A_1670 = arith.constant 7 : i32
    %and3A_1671 = vector.broadcast %and3A_1670 : i32 to vector<16xi32>
    %and3A_1672 = arith.andi %get3A_1660, %and3A_1671 : vector<16xi32>
    %or3A_1673 = arith.ori %shift_left3A_1669, %and3A_1672 : vector<16xi32>
    %shift_right_logical3A_1674 = arith.shrui %get3A_1657, %or3A_1673 : vector<16xi32>
    %and3A_1675 = arith.constant 1 : i32
    %and3A_1676 = vector.broadcast %and3A_1675 : i32 to vector<16xi32>
    %and3A_1677 = arith.andi %shift_right_logical3A_1674, %and3A_1676 : vector<16xi32>
    %swap3A_1678 = arith.constant 464 : index
    %swap3A_1679 = tpu.vector_load %arg8[%swap3A_1678] {strides = array<i32>} : memref<512xi32, #tpu.memory_space<vmem>>, vector<16xi32>,
    %swap3A_1680 = vector.shape_cast %swap3A_1679 : vector<16xi32> to vector<16xi32>
    %swap3A_1681 = vector.shape_cast %and3A_1677 : vector<16xi32> to vector<16xi32>
    tpu.vector_store %arg8[%swap3A_1678], %swap3A_1681 {strides = array<i32>} : memref<512xi32, #tpu.memory_space<vmem>>, vector<16xi32>,
    %get3A_1682 = arith.constant 3 : i32
    %get3A_1683 = arith.index_cast %get3A_1682 : i32 to index
    %get3A_1684 = arith.constant 96 : index
    %get3A_1685 = tpu.vector_load %arg7[%get3A_1683, %get3A_1684] {strides = array<i32>} : memref<4x128xi32, #tpu.memory_space<vmem>>, vector<1x16xi32>,
    %get3A_1686 = vector.shape_cast %get3A_1685 : vector<1x16xi32> to vector<16xi32>
    %get3A_1687 = arith.constant 480 : index
    %get3A_1688 = tpu.vector_load %arg5[%get3A_1687] {strides = array<i32>} : memref<512xi32, #tpu.memory_space<vmem>>, vector<16xi32>,
    %get3A_1689 = vector.shape_cast %get3A_1688 : vector<16xi32> to vector<16xi32>
    %shift_right_logical3A_1690 = arith.constant 10 : i32
    %shift_right_logical3A_1691 = vector.broadcast %shift_right_logical3A_1690 : i32 to vector<16xi32>
    %shift_right_logical3A_1692 = arith.shrui %get3A_1689, %shift_right_logical3A_1691 : vector<16xi32>
    %and3A_1693 = arith.constant 3 : i32
    %and3A_1694 = vector.broadcast %and3A_1693 : i32 to vector<16xi32>
    %and3A_1695 = arith.andi %shift_right_logical3A_1692, %and3A_1694 : vector<16xi32>
    %shift_left3A_1696 = arith.constant 3 : i32
    %shift_left3A_1697 = vector.broadcast %shift_left3A_1696 : i32 to vector<16xi32>
    %shift_left3A_1698 = arith.shli %and3A_1695, %shift_left3A_1697 : vector<16xi32>
    %and3A_1699 = arith.constant 7 : i32
    %and3A_1700 = vector.broadcast %and3A_1699 : i32 to vector<16xi32>
    %and3A_1701 = arith.andi %get3A_1689, %and3A_1700 : vector<16xi32>
    %or3A_1702 = arith.ori %shift_left3A_1698, %and3A_1701 : vector<16xi32>
    %shift_right_logical3A_1703 = arith.shrui %get3A_1686, %or3A_1702 : vector<16xi32>
    %and3A_1704 = arith.constant 1 : i32
    %and3A_1705 = vector.broadcast %and3A_1704 : i32 to vector<16xi32>
    %and3A_1706 = arith.andi %shift_right_logical3A_1703, %and3A_1705 : vector<16xi32>
    %swap3A_1707 = arith.constant 480 : index
    %swap3A_1708 = tpu.vector_load %arg8[%swap3A_1707] {strides = array<i32>} : memref<512xi32, #tpu.memory_space<vmem>>, vector<16xi32>,
    %swap3A_1709 = vector.shape_cast %swap3A_1708 : vector<16xi32> to vector<16xi32>
    %swap3A_1710 = vector.shape_cast %and3A_1706 : vector<16xi32> to vector<16xi32>
    tpu.vector_store %arg8[%swap3A_1707], %swap3A_1710 {strides = array<i32>} : memref<512xi32, #tpu.memory_space<vmem>>, vector<16xi32>,
    %get3A_1711 = arith.constant 3 : i32
    %get3A_1712 = arith.index_cast %get3A_1711 : i32 to index
    %get3A_1713 = arith.constant 112 : index
    %get3A_1714 = tpu.vector_load %arg7[%get3A_1712, %get3A_1713] {strides = array<i32>} : memref<4x128xi32, #tpu.memory_space<vmem>>, vector<1x16xi32>,
    %get3A_1715 = vector.shape_cast %get3A_1714 : vector<1x16xi32> to vector<16xi32>
    %get3A_1716 = arith.constant 496 : index
    %get3A_1717 = tpu.vector_load %arg5[%get3A_1716] {strides = array<i32>} : memref<512xi32, #tpu.memory_space<vmem>>, vector<16xi32>,
    %get3A_1718 = vector.shape_cast %get3A_1717 : vector<16xi32> to vector<16xi32>
    %shift_right_logical3A_1719 = arith.constant 10 : i32
    %shift_right_logical3A_1720 = vector.broadcast %shift_right_logical3A_1719 : i32 to vector<16xi32>
    %shift_right_logical3A_1721 = arith.shrui %get3A_1718, %shift_right_logical3A_1720 : vector<16xi32>
    %and3A_1722 = arith.constant 3 : i32
    %and3A_1723 = vector.broadcast %and3A_1722 : i32 to vector<16xi32>
    %and3A_1724 = arith.andi %shift_right_logical3A_1721, %and3A_1723 : vector<16xi32>
    %shift_left3A_1725 = arith.constant 3 : i32
    %shift_left3A_1726 = vector.broadcast %shift_left3A_1725 : i32 to vector<16xi32>
    %shift_left3A_1727 = arith.shli %and3A_1724, %shift_left3A_1726 : vector<16xi32>
    %and3A_1728 = arith.constant 7 : i32
    %and3A_1729 = vector.broadcast %and3A_1728 : i32 to vector<16xi32>
    %and3A_1730 = arith.andi %get3A_1718, %and3A_1729 : vector<16xi32>
    %or3A_1731 = arith.ori %shift_left3A_1727, %and3A_1730 : vector<16xi32>
    %shift_right_logical3A_1732 = arith.shrui %get3A_1715, %or3A_1731 : vector<16xi32>
    %and3A_1733 = arith.constant 1 : i32
    %and3A_1734 = vector.broadcast %and3A_1733 : i32 to vector<16xi32>
    %and3A_1735 = arith.andi %shift_right_logical3A_1732, %and3A_1734 : vector<16xi32>
    %swap3A_1736 = arith.constant 496 : index
    %swap3A_1737 = tpu.vector_load %arg8[%swap3A_1736] {strides = array<i32>} : memref<512xi32, #tpu.memory_space<vmem>>, vector<16xi32>,
    %swap3A_1738 = vector.shape_cast %swap3A_1737 : vector<16xi32> to vector<16xi32>
    %swap3A_1739 = vector.shape_cast %and3A_1735 : vector<16xi32> to vector<16xi32>
    tpu.vector_store %arg8[%swap3A_1736], %swap3A_1739 {strides = array<i32>} : memref<512xi32, #tpu.memory_space<vmem>>, vector<16xi32>,
    %run_scoped3A_1740 = arith.constant 0 : i32
    "tpu.region"() ({
      %run_scoped3A_1741 = tpu.sem_alloc : memref<!tpu.dma_semaphore, #tpu.memory_space<semaphore_mem>>
      %dma_start3A_1742 = tpu.memref_slice %arg4[%run_scoped3A_1740, %mul3A_34] : memref<1x16384xi32, #tpu.memory_space<hbm>> -> memref<1x512xi32, #tpu.memory_space<hbm>>
      %dma_start3A_1743 = tpu.memref_squeeze %dma_start3A_1742 : memref<1x512xi32, #tpu.memory_space<hbm>> -> memref<512xi32, #tpu.memory_space<hbm>>
      %dma_start3A_1744 = tpu.memref_slice %arg4[%run_scoped3A_1740, %mul3A_34] : memref<1x16384xi32, #tpu.memory_space<hbm>> -> memref<1x512xi32, #tpu.memory_space<hbm>>
      %dma_start3A_1745 = tpu.memref_squeeze %dma_start3A_1744 : memref<1x512xi32, #tpu.memory_space<hbm>> -> memref<512xi32, #tpu.memory_space<hbm>>
      tpu.enqueue_dma source(%arg8 : memref<512xi32, #tpu.memory_space<vmem>>) target(%dma_start3A_1745 : memref<512xi32, #tpu.memory_space<hbm>>) target_semaphore(%run_scoped3A_1741 : memref<!tpu.dma_semaphore, #tpu.memory_space<semaphore_mem>>)
      %dma_wait3A_1746 = tpu.memref_slice %arg4[%run_scoped3A_1740, %mul3A_34] : memref<1x16384xi32, #tpu.memory_space<hbm>> -> memref<1x512xi32, #tpu.memory_space<hbm>>
      %dma_wait3A_1747 = tpu.memref_squeeze %dma_wait3A_1746 : memref<1x512xi32, #tpu.memory_space<hbm>> -> memref<512xi32, #tpu.memory_space<hbm>>
      %dma_wait3A_1748 = tpu.memref_slice %arg4[%run_scoped3A_1740, %mul3A_34] : memref<1x16384xi32, #tpu.memory_space<hbm>> -> memref<1x512xi32, #tpu.memory_space<hbm>>
      %dma_wait3A_1749 = tpu.memref_squeeze %dma_wait3A_1748 : memref<1x512xi32, #tpu.memory_space<hbm>> -> memref<512xi32, #tpu.memory_space<hbm>>
      tpu.wait_dma2 semaphore(%run_scoped3A_1741 : memref<!tpu.dma_semaphore, #tpu.memory_space<semaphore_mem>>) src(%arg8 : memref<512xi32, #tpu.memory_space<vmem>>) dst(%dma_wait3A_1749 : memref<512xi32, #tpu.memory_space<hbm>>)
      tpu.yield
    }) : () -> ()
    return
  }
}

module attributes {stable_mosaic.version = 14 : i64} {
  func.func @_tc_body(%arg0: i32, %arg1: memref<16384x128xf32, #tpu.memory_space<vmem>>, %arg2: memref<128x24xf32, #tpu.memory_space<vmem>>, %arg3: memref<2097152xi8, #tpu.memory_space<vmem>>, %arg4: memref<1x1x16384xi32, #tpu.memory_space<vmem>>, %arg5: memref<4096x128xi32, #tpu.memory_space<vmem>>) attributes {dimension_semantics = [#tpu.dimension_semantics<arbitrary>], iteration_bounds = array<i64: 1>, scalar_prefetch = 0 : i64, scratch_operands = 0 : i64, tpu.core_type = #tpu.core_type<tc>, window_params = [{transform_indices = @transform_0, window_bounds = array<i64: 16384, 128>}, {pipeline_mode = #tpu.pipeline_mode<synchronous>, transform_indices = @transform_1, window_bounds = array<i64: 128, 24>}, {transform_indices = @transform_2, window_bounds = array<i64: 2097152>}, {transform_indices = @transform_3, window_bounds = array<i64: 1, 1, 16384>}, {transform_indices = @transform_4, window_bounds = array<i64: 4096, 128>}]} {
    %get3A = arith.constant 0 : index
    %get3A_0 = arith.constant 0 : index
    %get3A_1 = vector.load %arg2[%get3A, %get3A_0] : memref<128x24xf32, #tpu.memory_space<vmem>>, vector<128x24xf32>
    %get3A_2 = arith.constant 0 : index
    %get3A_3 = arith.constant 0 : index
    %get3A_4 = vector.load %arg1[%get3A_2, %get3A_3] : memref<16384x128xf32, #tpu.memory_space<vmem>>, vector<16384x128xf32>
    %dot_general3A = arith.constant dense<0.000000e+00> : vector<24x16384xf32>
    %dot_general3A_5 = tpu.matmul %get3A_1, %get3A_4, %dot_general3A {dimension_numbers = #tpu.dot_dimension_numbers<[0], [1], [1], [0], [0, 1, 1, 0], [], []>, transpose_lhs_hint = false} : vector<128x24xf32>, vector<16384x128xf32>, vector<24x16384xf32> -> vector<24x16384xf32>
    %iota3A = tpu.iota {dimensions = array<i32: 0>} : vector<24x16384xi32>
    %shift_left3A = arith.constant 1 : i32
    %shift_left3A_6 = vector.broadcast %shift_left3A : i32 to vector<24x16384xi32>
    %shift_left3A_7 = arith.shli %shift_left3A_6, %iota3A : vector<24x16384xi32>
    %lt3A = arith.constant 0.000000e+00 : f32
    %lt3A_8 = vector.broadcast %lt3A : f32 to vector<24x16384xf32>
    %lt3A_9 = arith.cmpf olt, %dot_general3A_5, %lt3A_8 : vector<24x16384xf32>
    %jit3A = arith.constant 0 : i32
    %broadcast_in_dim3A = vector.broadcast %jit3A : i32 to vector<24x16384xi32>
    %select_n3A = arith.select %lt3A_9, %shift_left3A_7, %broadcast_in_dim3A : vector<24x16384xi1>, vector<24x16384xi32>
    %reduce_sum3A = arith.constant dense<0> : vector<16384xi32>
    %reduce_sum3A_10 = vector.multi_reduction <add>, %select_n3A, %reduce_sum3A [0] : vector<24x16384xi32> to vector<16384xi32>
    %reshape3A = vector.shape_cast %reduce_sum3A_10 : vector<16384xi32> to vector<1x1x16384xi32>
    %swap3A = arith.constant 0 : index
    %swap3A_11 = arith.constant 0 : index
    %swap3A_12 = arith.constant 0 : index
    %swap3A_13 = vector.load %arg4[%swap3A, %swap3A_11, %swap3A_12] : memref<1x1x16384xi32, #tpu.memory_space<vmem>>, vector<1x1x16384xi32>
    tpu.vector_store %arg4[%swap3A, %swap3A_11, %swap3A_12], %reshape3A {strides = array<i32>} : memref<1x1x16384xi32, #tpu.memory_space<vmem>>, vector<1x1x16384xi32>,
    %get3A_14 = arith.constant 0 : index
    %get3A_15 = vector.load %arg3[%get3A_14] : memref<2097152xi8, #tpu.memory_space<vmem>>, vector<2097152xi8>
    %reshape3A_16 = vector.shape_cast %get3A_15 : vector<2097152xi8> to vector<16384x128xi8>
    %bitcast3A = tpu.bitcast %reshape3A_16 : vector<16384x128xi8> -> vector<4096x128xi32>
    %swap3A_17 = arith.constant 0 : index
    %swap3A_18 = arith.constant 0 : index
    %swap3A_19 = vector.load %arg5[%swap3A_17, %swap3A_18] : memref<4096x128xi32, #tpu.memory_space<vmem>>, vector<4096x128xi32>
    tpu.vector_store %arg5[%swap3A_17, %swap3A_18], %bitcast3A {strides = array<i32>} : memref<4096x128xi32, #tpu.memory_space<vmem>>, vector<4096x128xi32>,
    return
  }
  func.func @transform_0(%arg0: i32) -> (i32, i32) {
    %c0_i32 = arith.constant 0 : i32
    %c0_i32_0 = arith.constant 0 : i32
    return %arg0, %c0_i32 : i32, i32
  }
  func.func @transform_1(%arg0: i32) -> (i32, i32) {
    %c0_i32 = arith.constant 0 : i32
    %c0_i32_0 = arith.constant 0 : i32
    %c0_i32_1 = arith.constant 0 : i32
    return %c0_i32, %c0_i32_0 : i32, i32
  }
  func.func @transform_2(%arg0: i32) -> i32 {
    %c0_i32 = arith.constant 0 : i32
    return %arg0 : i32
  }
  func.func @transform_3(%arg0: i32) -> (i32, i32, i32) {
    %c0_i32 = arith.constant 0 : i32
    %c0_i32_0 = arith.constant 0 : i32
    %c0_i32_1 = arith.constant 0 : i32
    return %arg0, %c0_i32, %c0_i32_0 : i32, i32, i32
  }
  func.func @transform_4(%arg0: i32) -> (i32, i32) {
    %c0_i32 = arith.constant 0 : i32
    %c0_i32_0 = arith.constant 0 : i32
    return %arg0, %c0_i32 : i32, i32
  }
}

</mosaic_0001>

<sc_bundles>
// kernel: kernel.4.cloned.1.call-start
scs
__scs_entry_jumppad:
0x0: {  	(pc) =	sbr.rel $0x88, $3  }
0x1: {  	(tag) =	ssettag $0x0;
	lr =	simm.s32 $0x1  }
0x2: {  	[smem:$0x3F9E] =	sst lr;
	_ =	strace $0xD0000000  }
0x3: {  	_ = 	snop  }
0x4: {  	_ = 	snop  }
0x5: {  	_ = 	snop  }
0x6: {  	_ = 	snop  }
0x7: {  	_ = 	snop  }
__scs_overlays_trampoline_lowered:
0x8: {  	[smem:$0x3FAD] =	sst s0  }
0x9: {  	[smem:$0x3FAE] =	sst s1  }
0xa: {  	[smem:$0x3FAF] =	sst s2  }
0xb: {  	[smem:$0x3FB0] =	sst s3  }
0xc: {  	[smem:$0x3FB1] =	sst s4  }
0xd: {  	[smem:$0x3FB2] =	sst s5  }
0xe: {  	[smem:$0x3FB3] =	sst s6  }
0xf: {  	[smem:$0x3FB4] =	sst s7  }
0x10: {  	[smem:$0x3FB5] =	sst s8  }
0x11: {  	[smem:$0x3FB6] =	sst s9;
	s0 =	simm.s32 @!p0 $0x0  }
0x12: {  	s1 =	sld [smem:$0x3F9C];
	s0 =	simm.s32 @p0 $0x1  }
0x13: {  	[smem:$0x3FB7] =	sst s0;
	s0 =	simm.s32 @!p1 $0x0  }
0x14: {  	s2 =	sld [smem:$0x3F9B];
	s0 =	simm.s32 @p1 $0x1  }
0x15: {  	[smem:$0x3FB8] =	sst s0;
	s0 =	simm.s32 @!p2 $0x0  }
0x16: {  	s3 =	sld [smem:$0x3FDB];
	s0 =	simm.s32 @p2 $0x1  }
0x17: {  	s4 =	simm.s32 $0x1BF5;
	[smem:$0x3FBA] =	sst s0  }
0x18: {  	s0 =	sld [smem:$0x3F9D];
	_ =	swait.ge [sflag:s4], $0x0  }
0x19: {  	s7 =	sld [smem:$0x3F9E]  }
0x1a: {  	s8 =	sadd.s32 $0xFFFFE003, lr  }
0x1b: {  	s9 =	sadd.s32 $0xFFFFFEF7, lr;
	s5 =	simm.s32 $0xFFFFFFFF;
	p2 =	slt.u32 s8, $0xFFFFF086  }
0x1c: {  	p1 =	slt.u32 s9, $0xF7A;
	s5 =	simm.s32 @!p2 $0x0  }
0x1d: {  	s5 =	simm.s32 @p1 $0x1;
	p0 =	seq.s32 s7, s2  }
0x1e: {  	s7 =	smul.u32 @!p0 $0xF7A, s2;
	p2 =	seq.s32 @!p0 s5, $0x0  }
0x1f: {  	s9 =	smul.u32 $0xF7A, s1;
	s8 =	simm.s32 @!p0 $0x1BF5;
	p2 =	por !p2, p0  }
0x20: {  	[sflag:s8] =	ssyncset.s32 @!p0 $0xFFFFF086;
	s6 =	sadd.s32 @!p0 s3, s7;
	s7 =	simm.s32 @!p0 $0x108  }
0x21: {  	s3 =	sadd.s32 s3, s9;
	s6 =	sadd.s32 @!p0 $0x88, s6;
	s7 =	simm.s32 @p2 $0x1082  }
0x22: {  	[simem:s7], [sflag:s8] =	dma.local @!p0 [hbm:s6], $0xF7A  }
0x23: {  	s9 =	sor.u32 $0xD0000000, s2;
	s6 =	simm.s32 $0x108;
	_ =	swait.ge @!p0 [sflag:s8], $0x0  }
0x24: {  	s3 =	sadd.s32 $0x88, s3;
	s6 =	simm.s32 @!p1 $0x1082;
	[sflag:s4] =	ssyncset.s32 $0xFFFFF086  }
0x25: {  	[simem:s6], [sflag:s4] =	dma.local [hbm:s3], $0xF7A  }
0x26: {  	[smem:$0x3F9E] =	sst s1;
	(tag) =	ssettag s2;
	_ =	strace s9  }
0x27: {  	s1 =	sld [smem:$0x3FAE]  }
0x28: {  	s2 =	sld [smem:$0x3FAF]  }
0x29: {  	s4 =	sld [smem:$0x3FB1]  }
0x2a: {  	p0 =	seq.s32 s5, $0x0;
	s5 =	sld [smem:$0x3FB2]  }
0x2b: {  	s6 =	sld [smem:$0x3FB3]  }
0x2c: {  	s7 =	sld [smem:$0x3FB4]  }
0x2d: {  	s3 =	simm.s32 $0x108;
	s8 =	sld [smem:$0x3FB5]  }
0x2e: {  	s3 =	simm.s32 @!p0 $0x1082;
	s9 =	sld [smem:$0x3FB6]  }
0x2f: {  	lr =	sadd.s32 s0, s3;
	s0 =	sld [smem:$0x3FAD]  }
0x30: {  	s3 =	sld [smem:$0x3FB0]  }
0x31: {  	[smem:$0x3FB9] =	sst s10  }
0x32: {  	s10 =	sld [smem:$0x3FB7];
	_ =	sdelay $0x3  }
0x33: {  	p0 =	seq.s32 s10, $0x1;
	s10 =	sld [smem:$0x3FB9];
	_ =	sdelay $0x3  }
0x34: {  	[smem:$0x3FB9] =	sst s10  }
0x35: {  	s10 =	sld [smem:$0x3FB8];
	_ =	sdelay $0x3  }
0x36: {  	p1 =	seq.s32 s10, $0x1;
	s10 =	sld [smem:$0x3FB9];
	_ =	sdelay $0x3  }
0x37: {  	[smem:$0x3FB9] =	sst s10  }
0x38: {  	s10 =	sld [smem:$0x3FBA]  }
0x39: {  	_ = 	snop;
	(pc) =	sbr.ind lr, $3  }
0x3a: {  	_ = 	snop  }
0x3b: {  	_ = 	snop  }
0x3c: {  	p2 =	seq.s32 s10, $0x1;
	s10 =	sld [smem:$0x3FB9]  }
0x3d: {  	_ =	shalt  }
0x3e: {  	_ =	shalt  }
0x3f: {  	_ =	shalt  }
0x40: {  	_ =	shalt  }
0x41: {  	_ =	shalt  }
0x42: {  	_ =	shalt  }
0x43: {  	_ =	shalt  }
0x44: {  	_ =	shalt  }
0x45: {  	_ =	shalt  }
0x46: {  	_ =	shalt  }
0x47: {  	_ =	shalt  }
0x48: {  	_ =	shalt  }
0x49: {  	_ =	shalt  }
0x4a: {  	_ =	shalt  }
0x4b: {  	_ =	shalt  }
0x4c: {  	_ =	shalt  }
0x4d: {  	_ =	shalt  }
0x4e: {  	_ =	shalt  }
0x4f: {  	_ =	shalt  }
0x50: {  	_ =	shalt  }
0x51: {  	_ =	shalt  }
0x52: {  	_ =	shalt  }
0x53: {  	_ =	shalt  }
0x54: {  	_ =	shalt  }
0x55: {  	_ =	shalt  }
0x56: {  	_ =	shalt  }
0x57: {  	_ =	shalt  }
0x58: {  	_ =	shalt  }
0x59: {  	_ =	shalt  }
0x5a: {  	_ =	shalt  }
0x5b: {  	_ =	shalt  }
0x5c: {  	_ =	shalt  }
0x5d: {  	_ =	shalt  }
0x5e: {  	_ =	shalt  }
0x5f: {  	_ =	shalt  }
0x60: {  	_ =	shalt  }
0x61: {  	_ =	shalt  }
0x62: {  	_ =	shalt  }
0x63: {  	_ =	shalt  }
0x64: {  	_ =	shalt  }
0x65: {  	_ =	shalt  }
0x66: {  	_ =	shalt  }
0x67: {  	_ =	shalt  }
0x68: {  	_ =	shalt  }
0x69: {  	_ =	shalt  }
0x6a: {  	_ =	shalt  }
0x6b: {  	_ =	shalt  }
0x6c: {  	_ =	shalt  }
0x6d: {  	_ =	shalt  }
0x6e: {  	_ =	shalt  }
0x6f: {  	_ =	shalt  }
0x70: {  	_ =	shalt  }
0x71: {  	_ =	shalt  }
0x72: {  	_ =	shalt  }
0x73: {  	_ =	shalt  }
0x74: {  	_ =	shalt  }
0x75: {  	_ =	shalt  }
0x76: {  	_ =	shalt  }
0x77: {  	_ =	shalt  }
0x78: {  	_ =	shalt  }
0x79: {  	_ =	shalt  }
0x7a: {  	_ =	shalt  }
0x7b: {  	_ =	shalt  }
0x7c: {  	_ =	shalt  }
0x7d: {  	_ =	shalt  }
0x7e: {  	_ =	shalt  }
0x7f: {  	_ =	shalt  }
0x80: {  	_ =	shalt  }
0x81: {  	_ =	shalt  }
0x82: {  	_ =	shalt  }
0x83: {  	_ =	shalt  }
0x84: {  	_ =	shalt  }
0x85: {  	_ =	shalt  }
0x86: {  	_ =	shalt  }
0x87: {  	_ =	shalt  }
.Lfunc_end0:
.L_simem_size_0:
called_computation_lowered:
.L_overlay_start_0:
0x88: {  	s2 =	sld [smem:$0x3FD9]  }
0x89: {  	s3 =	sld [smem:$0x3FFE];
	_ =	sdelay $0x1  }
0x8a: {  	s1 =	srdreg.scid  }
0x8b: {  	s0 =	sand.u32 $0x1, s1  }
0x8c: {  	s16 =	sshll.u32 s0, $0xA;
	s2 =	sadd.s32 s3, s2  }
0x8d: {  	s2 =	sadd.s32 s2, s16  }
0x8e: {  	[smem:$0x3FC5] =	sst s2  }
0x8f: {  	_ = 	snop  }
0x90: {  	(tm) =	ssettm $0x1  }
0x91: {  	s17 =	sld [smem:$0x3FFB];
	_ =	sdelay $0x3  }
0x92: {  	_ =	strace s17  }
0x93: {  	s2 =	sld [smem:$0x3FFC];
	_ =	sdelay $0x3  }
0x94: {  	_ =	strace s2  }
0x95: {  	s2 =	sld [smem:$0x3FFD];
	_ =	sdelay $0x3  }
0x96: {  	_ =	strace s2  }
0x97: {  	_ =	strace $0x8FFFFFFF  }
0x98: {  	s18 =	sld [smem:$0x3FDB];
	_ =	sdelay $0x1  }
0x99: {  	s19 =	simm.s32 $_scs_section_size  }
0x9a: {  	s4 =	simm.s32 $_size__tile_overlayer_lowered;
	s5 =	simm.s32 $_tile_overlayer_lowered  }
0x9b: {  	s22 =	simm.s32 $0x1BFF;
	s21 =	sshll.u32 s5, $0x1;
	s2 =	sadd.s32 s19, s18  }
0x9c: {  	s6 =	simm.s32 $0x0;
	s20 =	sshll.u32 s4, $0x1;
	s4 =	sadd.s32 s21, s2  }
0x9d: {  	[timem:s6], [sflag:s22] =	dma.local [hbm:s4], s20  }
0x9e: {  	_ =	swait.ge [sflag:s22], s20  }
0x9f: {  	s3 =	ssub.s32 $0x0, s20;
	[sflag:s22] =	ssyncset.done $0x0  }
0xa0: {  	[sflag:s22] =	ssyncadd.s32 s3;
	_ =	sdelay $0x1  }
0xa1: {  	s23 =	simm.s32 $0x1B8B  }
0xa2: {  	_ =	swait.ge [sflag:s23], $0x1  }
0xa3: {  	[sflag:s23] =	ssyncset.done $0x0  }
0xa4: {  	s25 =	simm.s32 $0x1B8E;
	s24 =	sld [smem:$0x3FFE];
	[sflag:s23] =	ssyncadd.s32 $0xFFFFFFFF  }
0xa5: {  	s26 =	simm.s32 $execute0_lowered;
	[smem:$0x3FD2] =	sst s25  }
0xa6: {  	s4 =	sshll.u32 s26, $0x1;
	_ =	strace $0x80000046;
	[dreg:$0x1] =	wrdreg $0xFFFFFFFF  }
0xa7: {  	s28 =	simm.s32 $_size_execute0_lowered;
	s2 =	sadd.s32 s2, s4;
	[dreg:$0x0] =	wrdreg $0x0  }
0xa8: {  	s4 =	sshll.u32 s28, $0x1;
	[dreg:$0x2] =	wrdreg s2  }
0xa9: {  	[dreg:$0x3] =	wrdreg s4  }
0xaa: {  	[dreg:$0x4] =	wrdreg $0xC0  }
0xab: {  	_ =	task [dreg:s6], $0x5FFFF  }
0xac: {  	[dreg:$0x1] =	wrdreg $0xFFFFFFFF  }
0xad: {  	[dreg:$0x0] =	wrdreg $0x60  }
0xae: {  	[dreg:$0x2] =	wrdreg s24  }
0xaf: {  	[dreg:$0x3] =	wrdreg $0x9  }
0xb0: {  	_ =	task.clear_ibuf [dreg:s6], $0x4FFFF;
	_ =	strace $0x90000046  }
0xb1: {  	s29 =	simm.s32 $0x9;
	_ =	strace $0x80000048  }
0xb2: {  	_ =	swait.ge [sflag:s29], $0x1  }
0xb3: {  	[sflag:s29] =	ssyncadd.s32 $0xFFFFFFFF  }
0xb4: {  	_ =	strace $0x90000048  }
0xb5: {  	_ =	sfence  }
0xb6: {  	s30 =	sld [smem:$0x0];
	_ =	sdelay $0x2  }
0xb7: {  	s31 =	sshll.u32 s1, $0xD;
	s1 =	sshrl.u32 s1, $0x2  }
0xb8: {  	s3 =	sand.u32 $0x4000, s31;
	s1 =	sadd.s32 s1, s30  }
0xb9: {  	s0 =	sor.u32 s3, s0;
	s1 =	sshll.u32 s1, $0x11  }
0xba: {  	s0 =	sor.u32 s1, s0  }
0xbb: {  	s0 =	sadd.s32 $0x8F2B, s0  }
0xbc: {  	[sflag:s0] =	ssyncadd.remote.s32 $0x1  }
0xbd: {  	_ =	sfence.sel $0xFFFF  }
0xbe: {  	[dreg:$0x0] =	wrdreg $0xFFFFFFFF;
	(pc) =	sbr.abs _section_cstart, $3  }
0xbf: {  	[dreg:$0x1] =	wrdreg $0xFFFFFFFF  }
0xc0: {  	_ =	task.clear_ibuf [dreg:s6], $0x2FFFF;
	_ =	strace $0x9FFFFFFF  }
0xc1: {  	(tm) =	ssettm $0x7FFFFFFF  }
tec
execute0_lowered:
.L_overlay_start_1:
0x0: {  	(tag) =	ssettag $0x1  }
0x1: {  	s4 =	rddreg [dreg:$0x0]  }
0x2: {  	s0 =	rddreg [dreg:$0x1];
	s2 =	simm.s32 $0x0;
	s3 =	srdreg.scid  }
0x3: {  	s1 =	stileid.u32;
	s8 =	simm.s32 $0x80;
	s9 =	simm.s32 $0x200  }
0x4: {  	s10 =	simm.s32 $0x400;
	s11 =	simm.s32 $0x280;
	s12 =	simm.s32 $0x480  }
0x5: {  	s13 =	simm.s32 $0x300;
	s14 =	simm.s32 $0x500;
	s15 =	simm.s32 $0x380  }
0x6: {  	s16 =	simm.s32 $0x580;
	s17 =	simm.s32 $0x1;
	s18 =	simm.s32 $0x600  }
0x7: {  	[smem:$0x7FF] =	sst s2;
	s3 =	sand.u32 $0x1, s3;
	s5 =	sshll.u32 s1, $0x7  }
0x8: {  	s6 =	sshll.u32 s3, $0x6;
	s7 =	ssub.s32 $0x2, s3;
	_ =	strace $0x80000047  }
0x9: {  	s3 =	sadd.s32 $0xA00, s4;
	s5 =	sor.u32 s6, s5;
	s31 =	sshrl.u32 s7, $0x1  }
0xa: {  	s5 =	sadd.s32 s5, s4;
	s6 =	ssub.s32 s7, s31;
	s7 =	simm.s32 $0x2  }
0xb: {  	s4 =	sadd.s32 $0x10A00, s5;
	s5 =	sadd.s32 $0x11200, s5;
	s6 =	smax.u32 s6, $0x1  }
.LBB2_1:
0xc: {  	[tilespmem:s2], [sflag:$0x2] =	stream.linear.gather [hbm4b:s4+s2], $0x200, $0x38;
	[tilespmem:$0x800] =	vst v63  }
0xd: {  	_ =	swait.ge [sflag:s7], $0x200  }
0xe: {  	[sflag:s7] =	ssyncset.done $0x0  }
0xf: {  	[sflag:s7] =	ssyncadd.s32 $0xFFFFFE00  }
0x10: {  	v0 =	vld [tilespmem:$0x0]  }
0x11: {  	v1 =	vld [tilespmem:$0x10]  }
0x12: {  	v2 =	vld [tilespmem:$0x20]  }
0x13: {  	v4 =	vld [tilespmem:$0x30]  }
0x14: {  	v6 =	vld [tilespmem:$0x40]  }
0x15: {  	v44 =	vld [tilespmem:$0x50]  }
0x16: {  	v8 =	vld [tilespmem:$0x60]  }
0x17: {  	v9 =	vld [tilespmem:$0x70]  }
0x18: {  	v49 =	vld [tilespmem:$0x80]  }
0x19: {  	v11 =	vld [tilespmem:$0x90]  }
0x1a: {  	v12 =	vld [tilespmem:$0xA0]  }
0x1b: {  	v54 =	vld [tilespmem:$0xB0]  }
0x1c: {  	v14 =	vld [tilespmem:$0xC0]  }
0x1d: {  	v15 =	vld [tilespmem:$0xD0];
	v3 =	vshrl.u32 v0, $0x5;
	v0 =	vshrl.u32 v0, $0x3;
	v5 =	vshrl.u32 v1, $0x5  }
0x1e: {  	v59 =	vld [tilespmem:$0xE0];
	v1 =	vshrl.u32 v1, $0x3;
	v43 =	vshrl.u32 v2, $0x5;
	v2 =	vshrl.u32 v2, $0x3  }
0x1f: {  	v17 =	vld [tilespmem:$0xF0];
	v7 =	vshrl.u32 v4, $0x5;
	v4 =	vshrl.u32 v4, $0x3;
	v46 =	vshrl.u32 v6, $0x5  }
0x20: {  	v18 =	vld [tilespmem:$0x100];
	v6 =	vshrl.u32 v6, $0x3;
	v48 =	vshrl.u32 v44, $0x5;
	v10 =	vshrl.u32 v8, $0x5  }
0x21: {  	v21 =	vld [tilespmem:$0x110];
	v8 =	vshrl.u32 v8, $0x3;
	v51 =	vshrl.u32 v9, $0x5;
	v9 =	vshrl.u32 v9, $0x3  }
0x22: {  	v24 =	vld [tilespmem:$0x120];
	v53 =	vshrl.u32 v49, $0x5;
	v13 =	vshrl.u32 v11, $0x5;
	v11 =	vshrl.u32 v11, $0x3  }
0x23: {  	v30 =	vld [tilespmem:$0x130];
	v56 =	vshrl.u32 v12, $0x5;
	v12 =	vshrl.u32 v12, $0x3;
	v58 =	vshrl.u32 v54, $0x5  }
0x24: {  	v16 =	vshrl.u32 v14, $0x5;
	v14 =	vshrl.u32 v14, $0x3;
	v61 =	vshrl.u32 v15, $0x5  }
0x25: {  	v15 =	vshrl.u32 v15, $0x3;
	v20 =	vshrl.u32 v59, $0x5;
	v23 =	vshrl.u32 v17, $0x5  }
0x26: {  	v26 =	vshrl.u32 v17, $0x3;
	v28 =	vshrl.u32 v18, $0x5;
	v29 =	vshrl.u32 v18, $0x3  }
0x27: {  	v33 =	vshrl.u32 v21, $0x5;
	v34 =	vshrl.u32 v21, $0x3;
	v36 =	vshrl.u32 v24, $0x5  }
0x28: {  	v39 =	vshrl.u32 v24, $0x3;
	v40 =	vshrl.u32 v30, $0x5;
	v41 =	vshrl.u32 v30, $0x3  }
0x29: {  	v3 =	vand.u32 $0x7FFFF80, v3;
	v0 =	vand.u32 $0x7F, v0;
	v42 =	vand.u32 $0x7FFFF80, v5  }
0x2a: {  	v1 =	vand.u32 $0x7F, v1;
	v2 =	vand.u32 $0x7F, v2;
	v45 =	vand.u32 $0x7FFFF80, v7  }
0x2b: {  	v4 =	vand.u32 $0x7F, v4;
	v47 =	vand.u32 $0x7FFFF80, v46;
	v6 =	vand.u32 $0x7F, v6  }
0x2c: {  	v5 =	vshrl.u32 v44, $0x3;
	v50 =	vand.u32 $0x7FFFF80, v10;
	v8 =	vand.u32 $0x7F, v8  }
0x2d: {  	v52 =	vand.u32 $0x7FFFF80, v51;
	v9 =	vand.u32 $0x7F, v9;
	v7 =	vshrl.u32 v49, $0x3  }
0x2e: {  	v35 =	vld [tilespmem:$0x140];
	v55 =	vand.u32 $0x7FFFF80, v13;
	v11 =	vand.u32 $0x7F, v11;
	v57 =	vand.u32 $0x7FFFF80, v56  }
0x2f: {  	v37 =	vld [tilespmem:$0x150];
	v12 =	vand.u32 $0x7F, v12;
	v10 =	vshrl.u32 v54, $0x3;
	v60 =	vand.u32 $0x7FFFF80, v16  }
0x30: {  	v14 =	vand.u32 $0x7F, v14;
	v62 =	vand.u32 $0x7FFFF80, v61;
	v15 =	vand.u32 $0x7F, v15  }
0x31: {  	v13 =	vshrl.u32 v59, $0x3;
	v22 =	vand.u32 $0x7FFFF80, v20;
	v25 =	vand.u32 $0x7FFFF80, v23  }
0x32: {  	v27 =	vand.u32 $0x7F, v26;
	v31 =	vand.u32 $0x7FFFF80, v28;
	v32 =	vand.u32 $0x7F, v29  }
0x33: {  	v38 =	vand.u32 $0x7FFFF80, v36;
	v44 =	vand.u32 $0x7F, v41;
	v0 =	vor.u32 v0, v3  }
0x34: {  	v46 =	vshrl.u32 v35, $0x3;
	v51 =	vshrl.u32 v37, $0x3;
	v1 =	vor.u32 v1, v42;
	[tilespmem:$0x200] =	vst v0  }
0x35: {  	v3 =	vand.u32 $0x7FFFF80, v43;
	v5 =	vand.u32 $0x7F, v5;
	v63 =	vor.u32 v15, v62;
	[tilespmem:$0x210] =	vst v1  }
0x36: {  	v7 =	vand.u32 $0x7F, v7;
	v10 =	vand.u32 $0x7F, v10;
	v2 =	vor.u32 v2, v3;
	[tilespmem:$0x2D0] =	vst v63  }
0x37: {  	v13 =	vand.u32 $0x7F, v13;
	v43 =	vand.u32 $0x7FFFF80, v40;
	v3 =	vor.u32 v4, v45;
	[tilespmem:$0x220] =	vst v2  }
0x38: {  	v4 =	vor.u32 v6, v47;
	v6 =	vand.u32 $0x7FFFF80, v48;
	v1 =	vor.u32 v13, v22;
	[tilespmem:$0x230] =	vst v3  }
0x39: {  	v45 =	vshrl.u32 v35, $0x5;
	v48 =	vshrl.u32 v37, $0x5;
	v5 =	vor.u32 v5, v6;
	[tilespmem:$0x240] =	vst v4  }
0x3a: {  	v17 =	vld [tilespmem:$0x1C0];
	v6 =	vor.u32 v8, v50;
	v8 =	vor.u32 v9, v52;
	v9 =	vand.u32 $0x7FFFF80, v53;
	[tilespmem:$0x2E0] =	vst v1  }
0x3b: {  	v2 =	vor.u32 v27, v25;
	v3 =	vor.u32 v32, v31;
	v4 =	vand.u32 $0x7FFFF80, v33;
	[tilespmem:$0x250] =	vst v5  }
0x3c: {  	v50 =	vand.u32 $0x7FFFF80, v48;
	v52 =	vand.u32 $0x7F, v51;
	v7 =	vor.u32 v7, v9;
	[tilespmem:$0x260] =	vst v6  }
0x3d: {  	v49 =	vld [tilespmem:$0x180];
	v9 =	vor.u32 v11, v55;
	v11 =	vor.u32 v12, v57;
	v12 =	vand.u32 $0x7FFFF80, v58;
	[tilespmem:$0x270] =	vst v8  }
0x3e: {  	v26 =	vld [tilespmem:$0x1E0];
	v5 =	vand.u32 $0x7F, v34;
	v6 =	vand.u32 $0x7F, v39;
	v8 =	vand.u32 $0x7F, v46;
	[tilespmem:$0x2F0] =	vst v2  }
0x3f: {  	v42 =	vld [tilespmem:$0x160];
	v0 =	vor.u32 v52, v50;
	[tilespmem:$0x300] =	vst v3;
	v30 =	vshrl.u32 v17, $0x5;
	v31 =	vshrl.u32 v17, $0x3  }
0x40: {  	v10 =	vor.u32 v10, v12;
	v12 =	vor.u32 v14, v60;
	v4 =	vor.u32 v5, v4;
	[tilespmem:$0x280] =	vst v7  }
0x41: {  	v47 =	vld [tilespmem:$0x170];
	[tilespmem:$0x290] =	vst v9;
	v5 =	vor.u32 v6, v38;
	v6 =	vor.u32 v44, v43;
	v7 =	vand.u32 $0x7FFFF80, v45  }
0x42: {  	v63 =	vld [tilespmem:$0x1B0];
	[tilespmem:$0x2A0] =	vst v11;
	v62 =	vshrl.u32 v49, $0x5;
	v14 =	vshrl.u32 v49, $0x3;
	v33 =	vand.u32 $0x7FFFF80, v30  }
0x43: {  	v22 =	vld [tilespmem:$0x1D0];
	[tilespmem:$0x350] =	vst v0;
	v34 =	vand.u32 $0x7F, v31;
	v39 =	vshrl.u32 v26, $0x5;
	v41 =	vshrl.u32 v26, $0x3  }
0x44: {  	[tilespmem:$0x2C0] =	vst v12;
	v7 =	vor.u32 v8, v7;
	v53 =	vshrl.u32 v42, $0x5;
	v54 =	vshrl.u32 v42, $0x3  }
0x45: {  	[tilespmem:$0x310] =	vst v4;
	v12 =	vand.u32 $0x7FFFF80, v62;
	v4 =	vand.u32 $0x7F, v14;
	v40 =	vand.u32 $0x7FFFF80, v39  }
0x46: {  	v32 =	vld [tilespmem:$0x1F0];
	[tilespmem:$0x2B0] =	vst v10;
	v42 =	vand.u32 $0x7F, v41;
	v56 =	vand.u32 $0x7FFFF80, v53;
	v57 =	vand.u32 $0x7F, v54  }
0x47: {  	v55 =	vld [tilespmem:$0x190];
	[tilespmem:$0x320] =	vst v5;
	v58 =	vshrl.u32 v47, $0x5;
	v59 =	vshrl.u32 v47, $0x3;
	v3 =	vor.u32 v4, v12  }
0x48: {  	[tilespmem:$0x330] =	vst v6;
	v25 =	vshrl.u32 v63, $0x5;
	v28 =	vshrl.u32 v63, $0x3;
	v35 =	vshrl.u32 v22, $0x5  }
0x49: {  	[tilespmem:$0x340] =	vst v7;
	v36 =	vshrl.u32 v22, $0x3;
	v45 =	vor.u32 v42, v40;
	v1 =	vor.u32 v57, v56  }
0x4a: {  	v60 =	vld [tilespmem:$0x1A0];
	v2 =	vand.u32 $0x7FFFF80, v58;
	v61 =	vand.u32 $0x7F, v59;
	v27 =	vand.u32 $0x7FFFF80, v25;
	[tilespmem:$0x380] =	vst v3  }
0x4b: {  	v29 =	vand.u32 $0x7F, v28;
	v43 =	vshrl.u32 v32, $0x5;
	v44 =	vshrl.u32 v32, $0x3;
	[tilespmem:$0x3E0] =	vst v45  }
0x4c: {  	v2 =	vor.u32 v61, v2;
	v15 =	vshrl.u32 v55, $0x5;
	v16 =	vshrl.u32 v55, $0x3;
	[tilespmem:$0x360] =	vst v1  }
0x4d: {  	v1 =	vor.u32 v29, v27;
	v46 =	vand.u32 $0x7FFFF80, v43;
	v47 =	vand.u32 $0x7F, v44;
	[tilespmem:$0x370] =	vst v2  }
0x4e: {  	v18 =	vand.u32 $0x7FFFF80, v15;
	v19 =	vand.u32 $0x7F, v16;
	v2 =	vor.u32 v34, v33;
	[tilespmem:$0x3B0] =	vst v1  }
0x4f: {  	v20 =	vshrl.u32 v60, $0x5;
	v21 =	vshrl.u32 v60, $0x3;
	v48 =	vor.u32 v47, v46;
	[tilespmem:$0x3C0] =	vst v2  }
0x50: {  	v4 =	vor.u32 v19, v18;
	v23 =	vand.u32 $0x7FFFF80, v20;
	v24 =	vand.u32 $0x7F, v21;
	[tilespmem:$0x3F0] =	vst v48  }
0x51: {  	v37 =	vand.u32 $0x7FFFF80, v35;
	v38 =	vand.u32 $0x7F, v36;
	v0 =	vor.u32 v24, v23;
	[tilespmem:$0x390] =	vst v4  }
0x52: {  	[tilespmem:$0x3A0] =	vst v0;
	v0 =	vor.u32 v38, v37  }
0x53: {  	[tilespmem:$0x3D0] =	vst v0  }
0x54: {  	[tilespmem:s10], [sflag:$0x1] =	stream.indirect.gather [hbm4b:s3+s8], $0x1, s9, s8, $0xb8;
	[tilespmem:$0x800] =	vst v63  }
0x55: {  	_ = 	snop  }
0x56: {  	[tilespmem:s12], [sflag:$0x1] =	stream.indirect.gather [hbm4b:s3+s8], $0x1, s11, s8, $0xb8;
	[tilespmem:$0x800] =	vst v63  }
0x57: {  	_ = 	snop  }
0x58: {  	[tilespmem:s14], [sflag:$0x1] =	stream.indirect.gather [hbm4b:s3+s8], $0x1, s13, s8, $0xb8;
	[tilespmem:$0x800] =	vst v63  }
0x59: {  	_ = 	snop  }
0x5a: {  	[tilespmem:s16], [sflag:$0x1] =	stream.indirect.gather [hbm4b:s3+s8], $0x1, s15, s8, $0xb8;
	[tilespmem:$0x800] =	vst v63  }
0x5b: {  	_ =	swait.ge [sflag:s17], $0x80  }
0x5c: {  	[sflag:s17] =	ssyncset.done $0x0  }
0x5d: {  	[sflag:s17] =	ssyncadd.s32 $0xFFFFFF80  }
0x5e: {  	_ =	swait.ge [sflag:s17], $0x80  }
0x5f: {  	[sflag:s17] =	ssyncset.done $0x0  }
0x60: {  	[sflag:s17] =	ssyncadd.s32 $0xFFFFFF80  }
0x61: {  	_ =	swait.ge [sflag:s17], $0x80  }
0x62: {  	[sflag:s17] =	ssyncset.done $0x0  }
0x63: {  	[sflag:s17] =	ssyncadd.s32 $0xFFFFFF80  }
0x64: {  	_ =	swait.ge [sflag:s17], $0x80  }
0x65: {  	[sflag:s17] =	ssyncset.done $0x0  }
0x66: {  	[sflag:s17] =	ssyncadd.s32 $0xFFFFFF80  }
0x67: {  	v49 =	vld [tilespmem:$0x0]  }
0x68: {  	v52 =	vld [tilespmem:$0x10]  }
0x69: {  	v53 =	vld [tilespmem:$0x20]  }
0x6a: {  	v57 =	vld [tilespmem:$0x30]  }
0x6b: {  	v59 =	vld [tilespmem:$0x40]  }
0x6c: {  	v17 =	vld [tilespmem:$0x50]  }
0x6d: {  	v19 =	vld [tilespmem:$0x60]  }
0x6e: {  	v24 =	vld [tilespmem:$0x70]  }
0x6f: {  	v26 =	vld [tilespmem:$0x80]  }
0x70: {  	v31 =	vld [tilespmem:$0x90]  }
0x71: {  	v33 =	vld [tilespmem:$0xA0]  }
0x72: {  	v38 =	vld [tilespmem:$0xB0];
	v54 =	vshrl.u32 v49, $0x7;
	v0 =	vand.u32 $0x7, v49;
	v58 =	vshrl.u32 v52, $0x7  }
0x73: {  	v40 =	vld [tilespmem:$0xC0];
	v3 =	vand.u32 $0x7, v52;
	v60 =	vshrl.u32 v53, $0x7;
	v4 =	vand.u32 $0x7, v53  }
0x74: {  	v18 =	vshrl.u32 v57, $0x7;
	v20 =	vshrl.u32 v59, $0x7;
	v8 =	vand.u32 $0x7, v59  }
0x75: {  	v25 =	vshrl.u32 v17, $0x7;
	v27 =	vshrl.u32 v19, $0x7;
	v6 =	vand.u32 $0x7, v19  }
0x76: {  	v32 =	vshrl.u32 v24, $0x7;
	v7 =	vand.u32 $0x7, v24;
	v34 =	vshrl.u32 v26, $0x7  }
0x77: {  	v10 =	vand.u32 $0x7, v26;
	v39 =	vshrl.u32 v31, $0x7;
	v41 =	vshrl.u32 v33, $0x7  }
0x78: {  	v50 =	vld [tilespmem:$0x400];
	v12 =	vand.u32 $0x7, v33;
	v46 =	vshrl.u32 v38, $0x7;
	v19 =	vshrl.u32 v40, $0x7  }
0x79: {  	v51 =	vld [tilespmem:$0x410];
	v14 =	vand.u32 $0x7, v40;
	v5 =	vand.u32 $0x18, v54;
	v1 =	vand.u32 $0x18, v58  }
0x7a: {  	v55 =	vld [tilespmem:$0x420];
	v62 =	vand.u32 $0x18, v60;
	v22 =	vand.u32 $0x18, v20;
	v29 =	vand.u32 $0x18, v27  }
0x7b: {  	v21 =	vld [tilespmem:$0x460];
	v9 =	vand.u32 $0x18, v32;
	v36 =	vand.u32 $0x18, v34;
	v11 =	vand.u32 $0x18, v39  }
0x7c: {  	v23 =	vld [tilespmem:$0x470];
	v43 =	vand.u32 $0x18, v41;
	v13 =	vand.u32 $0x18, v46;
	v48 =	vand.u32 $0x18, v19  }
0x7d: {  	v28 =	vld [tilespmem:$0x480];
	v0 =	vor.u32 v0, v5;
	v1 =	vor.u32 v3, v1;
	v16 =	vor.u32 v4, v62  }
0x7e: {  	v45 =	vld [tilespmem:$0xD0];
	v4 =	vand.u32 $0x18, v18;
	v5 =	vand.u32 $0x7, v57;
	v3 =	vand.u32 $0x7, v17  }
0x7f: {  	v47 =	vld [tilespmem:$0xE0];
	v6 =	vor.u32 v6, v29;
	v7 =	vor.u32 v7, v9;
	v9 =	vor.u32 v10, v36  }
0x80: {  	v56 =	vld [tilespmem:$0x430];
	v10 =	vand.u32 $0x7, v38;
	v0 =	vshrl.u32 v50, v0;
	v1 =	vshrl.u32 v51, v1  }
0x81: {  	v61 =	vld [tilespmem:$0x440];
	v2 =	vshrl.u32 v55, v16;
	v4 =	vor.u32 v5, v4;
	v5 =	vor.u32 v8, v22  }
0x82: {  	v37 =	vld [tilespmem:$0x4B0];
	v8 =	vand.u32 $0x18, v25;
	v6 =	vshrl.u32 v21, v6;
	v7 =	vshrl.u32 v23, v7  }
0x83: {  	v42 =	vld [tilespmem:$0x4C0];
	v9 =	vshrl.u32 v28, v9;
	v10 =	vor.u32 v10, v13;
	v13 =	vor.u32 v14, v48  }
0x84: {  	v63 =	vld [tilespmem:$0x450];
	v51 =	vshrl.u32 v45, $0x7;
	v21 =	vshrl.u32 v47, $0x7;
	v16 =	vand.u32 $0x7, v47  }
0x85: {  	v30 =	vld [tilespmem:$0x490];
	v0 =	vand.u32 $0x1, v0;
	v1 =	vand.u32 $0x1, v1;
	v2 =	vand.u32 $0x1, v2  }
0x86: {  	v35 =	vld [tilespmem:$0x4A0];
	v4 =	vshrl.u32 v56, v4;
	v5 =	vshrl.u32 v61, v5;
	v3 =	vor.u32 v3, v8  }
0x87: {  	v52 =	vld [tilespmem:$0x100];
	v6 =	vand.u32 $0x1, v6;
	v7 =	vand.u32 $0x1, v7;
	v8 =	vand.u32 $0x7, v31  }
0x88: {  	v40 =	vld [tilespmem:$0x160];
	v9 =	vand.u32 $0x1, v9;
	v10 =	vshrl.u32 v37, v10;
	v13 =	vshrl.u32 v42, v13  }
0x89: {  	v20 =	vld [tilespmem:$0xF0];
	v15 =	vand.u32 $0x18, v51;
	v53 =	vand.u32 $0x18, v21;
	v4 =	vand.u32 $0x1, v4  }
0x8a: {  	v58 =	vld [tilespmem:$0x130];
	v5 =	vand.u32 $0x1, v5;
	v3 =	vshrl.u32 v63, v3;
	v8 =	vor.u32 v8, v11  }
0x8b: {  	v32 =	vld [tilespmem:$0x150];
	v11 =	vor.u32 v12, v43;
	v10 =	vand.u32 $0x1, v10;
	v12 =	vand.u32 $0x7, v45  }
0x8c: {  	v44 =	vld [tilespmem:$0x4D0];
	v57 =	vshrl.u32 v52, $0x7;
	v18 =	vand.u32 $0x7, v52;
	v13 =	vand.u32 $0x1, v13  }
0x8d: {  	v49 =	vld [tilespmem:$0x4E0];
	v52 =	vshrl.u32 v40, $0x7;
	v3 =	vand.u32 $0x1, v3;
	v8 =	vshrl.u32 v30, v8  }
0x8e: {  	v38 =	vld [tilespmem:$0x550];
	v11 =	vshrl.u32 v35, v11;
	v12 =	vor.u32 v12, v15;
	v54 =	vshrl.u32 v20, $0x7  }
0x8f: {  	v22 =	vld [tilespmem:$0x110];
	v20 =	vand.u32 $0x7, v20;
	v15 =	vor.u32 v16, v53;
	v16 =	vand.u32 $0x18, v57  }
0x90: {  	v23 =	vld [tilespmem:$0x500];
	v34 =	vshrl.u32 v58, $0x7;
	v37 =	vand.u32 $0x7, v58;
	v45 =	vshrl.u32 v32, $0x7  }
0x91: {  	v28 =	vld [tilespmem:$0x140];
	v48 =	vand.u32 $0x7, v32;
	v8 =	vand.u32 $0x1, v8;
	v11 =	vand.u32 $0x1, v11  }
0x92: {  	v50 =	vld [tilespmem:$0x4F0];
	v21 =	vand.u32 $0x18, v54;
	v12 =	vshrl.u32 v44, v12;
	v15 =	vshrl.u32 v49, v15  }
0x93: {  	v56 =	vld [tilespmem:$0x120];
	v16 =	vor.u32 v18, v16;
	v36 =	vand.u32 $0x18, v34;
	v47 =	vand.u32 $0x18, v45  }
0x94: {  	v25 =	vld [tilespmem:$0x1C0];
	[tilespmem:$0x600] =	vst v0;
	v54 =	vand.u32 $0x18, v52;
	v55 =	vor.u32 v20, v21;
	v59 =	vshrl.u32 v22, $0x7  }
0x95: {  	v42 =	vld [tilespmem:$0x170];
	[tilespmem:$0x610] =	vst v1;
	v62 =	vand.u32 $0x7, v22;
	v12 =	vand.u32 $0x1, v12;
	v29 =	vshrl.u32 v23, v16  }
0x96: {  	v51 =	vld [tilespmem:$0x180];
	[tilespmem:$0x620] =	vst v2;
	v39 =	vand.u32 $0x1, v15;
	v2 =	vor.u32 v37, v36;
	v41 =	vshrl.u32 v28, $0x7  }
0x97: {  	v24 =	vld [tilespmem:$0x510];
	[tilespmem:$0x640] =	vst v5;
	v44 =	vand.u32 $0x7, v28;
	v5 =	vor.u32 v48, v47;
	v14 =	vshrl.u32 v50, v55  }
0x98: {  	v63 =	vld [tilespmem:$0x530];
	[tilespmem:$0x660] =	vst v6;
	v61 =	vand.u32 $0x18, v59;
	v31 =	vshrl.u32 v56, $0x7;
	v17 =	vand.u32 $0x7, v56  }
0x99: {  	v60 =	vld [tilespmem:$0x520];
	[tilespmem:$0x670] =	vst v7;
	v43 =	vand.u32 $0x18, v41;
	v0 =	vand.u32 $0x1, v29;
	v5 =	vshrl.u32 v38, v5  }
0x9a: {  	[tilespmem:$0x680] =	vst v9;
	v35 =	vld [tilespmem:$0x540];
	v55 =	vand.u32 $0x7, v40;
	v56 =	vshrl.u32 v42, $0x7;
	v59 =	vand.u32 $0x7, v42  }
0x9b: {  	v46 =	vld [tilespmem:$0x560];
	v6 =	vand.u32 $0x7, v51;
	[tilespmem:$0x6E0] =	vst v39;
	v39 =	vshrl.u32 v25, $0x7;
	v42 =	vand.u32 $0x7, v25  }
0x9c: {  	v53 =	vld [tilespmem:$0x190];
	[tilespmem:$0x650] =	vst v3;
	v18 =	vor.u32 v62, v61;
	v33 =	vand.u32 $0x18, v31;
	v14 =	vand.u32 $0x1, v14  }
0x9d: {  	v49 =	vld [tilespmem:$0x570];
	[tilespmem:$0x690] =	vst v8;
	v2 =	vshrl.u32 v63, v2;
	v3 =	vor.u32 v44, v43;
	v8 =	vor.u32 v55, v54  }
0x9e: {  	[tilespmem:$0x630] =	vst v4;
	v58 =	vand.u32 $0x18, v56;
	v62 =	vshrl.u32 v51, $0x7;
	v5 =	vand.u32 $0x1, v5  }
0x9f: {  	[tilespmem:$0x6B0] =	vst v10;
	v45 =	vld [tilespmem:$0x1F0];
	v30 =	vshrl.u32 v24, v18;
	v1 =	vor.u32 v17, v33;
	v3 =	vshrl.u32 v35, v3  }
0xa0: {  	v57 =	vld [tilespmem:$0x580];
	[tilespmem:$0x6C0] =	vst v13;
	v2 =	vand.u32 $0x1, v2;
	v9 =	vor.u32 v59, v58;
	v8 =	vshrl.u32 v46, v8  }
0xa1: {  	[tilespmem:$0x6A0] =	vst v11;
	v40 =	vld [tilespmem:$0x1E0];
	v11 =	vand.u32 $0x18, v62;
	v20 =	vshrl.u32 v53, $0x7;
	v24 =	vand.u32 $0x7, v53  }
0xa2: {  	[tilespmem:$0x6D0] =	vst v12;
	v61 =	vld [tilespmem:$0x1A0];
	v1 =	vshrl.u32 v60, v1;
	v50 =	vand.u32 $0x1, v30;
	v9 =	vshrl.u32 v49, v9  }
0xa3: {  	v63 =	vld [tilespmem:$0x1B0];
	[tilespmem:$0x700] =	vst v0;
	v22 =	vor.u32 v6, v11;
	v23 =	vand.u32 $0x18, v20;
	v3 =	vand.u32 $0x1, v3  }
0xa4: {  	[tilespmem:$0x6F0] =	vst v14;
	v60 =	vld [tilespmem:$0x590];
	v41 =	vand.u32 $0x1, v8;
	v58 =	vshrl.u32 v45, $0x7;
	v1 =	vand.u32 $0x1, v1  }
0xa5: {  	[tilespmem:$0x750] =	vst v5;
	v30 =	vld [tilespmem:$0x1D0];
	v6 =	vor.u32 v24, v23;
	v27 =	vshrl.u32 v57, v22;
	v46 =	vand.u32 $0x1, v9  }
0xa6: {  	v26 =	vld [tilespmem:$0x5B0];
	[tilespmem:$0x730] =	vst v2;
	v59 =	vand.u32 $0x18, v58;
	v0 =	vand.u32 $0x1, v27;
	v52 =	vshrl.u32 v40, $0x7  }
0xa7: {  	v21 =	vld [tilespmem:$0x5A0];
	[tilespmem:$0x710] =	vst v50;
	v55 =	vand.u32 $0x7, v40;
	v29 =	vshrl.u32 v61, $0x7;
	v31 =	vand.u32 $0x7, v61  }
0xa8: {  	[tilespmem:$0x740] =	vst v3;
	v32 =	vshrl.u32 v63, $0x7;
	v36 =	vand.u32 $0x7, v63;
	v54 =	vand.u32 $0x18, v52  }
0xa9: {  	v33 =	vld [tilespmem:$0x5C0];
	[tilespmem:$0x760] =	vst v41;
	v35 =	vand.u32 $0x18, v32;
	v57 =	vor.u32 v55, v54;
	v28 =	vshrl.u32 v60, v6  }
0xaa: {  	v37 =	vld [tilespmem:$0x5D0];
	[tilespmem:$0x720] =	vst v1;
	v6 =	vand.u32 $0x18, v29;
	v38 =	vor.u32 v36, v35;
	v44 =	vshrl.u32 v30, $0x7  }
0xab: {  	v50 =	vld [tilespmem:$0x5E0];
	[tilespmem:$0x770] =	vst v46;
	v47 =	vand.u32 $0x7, v30;
	v34 =	vor.u32 v31, v6;
	v6 =	vand.u32 $0x18, v39  }
0xac: {  	v53 =	vld [tilespmem:$0x5F0];
	[tilespmem:$0x780] =	vst v0;
	v2 =	vshrl.u32 v26, v38;
	v48 =	vand.u32 $0x1, v28;
	v1 =	vshrl.u32 v21, v34  }
0xad: {  	v43 =	vor.u32 v42, v6;
	v6 =	vand.u32 $0x18, v44;
	[tilespmem:$0x790] =	vst v48;
	v56 =	vand.u32 $0x1, v2  }
0xae: {  	v49 =	vor.u32 v47, v6;
	v51 =	vshrl.u32 v33, v43;
	v1 =	vand.u32 $0x1, v1;
	[tilespmem:$0x7B0] =	vst v56  }
0xaf: {  	v60 =	vand.u32 $0x7, v45;
	v4 =	vshrl.u32 v37, v49;
	[tilespmem:$0x7A0] =	vst v1;
	v0 =	vand.u32 $0x1, v51  }
0xb0: {  	v61 =	vshrl.u32 v50, v57;
	v1 =	vor.u32 v60, v59;
	[tilespmem:$0x7C0] =	vst v0;
	v62 =	vand.u32 $0x1, v4  }
0xb1: {  	v0 =	vand.u32 $0x1, v61;
	v1 =	vshrl.u32 v53, v1;
	[tilespmem:$0x7D0] =	vst v62  }
0xb2: {  	p0 =	sne.s32 s6, $0x1;
	[tilespmem:$0x7E0] =	vst v0;
	v63 =	vand.u32 $0x1, v1  }
.Ltmp0:
0xb3: {  	[tilespmem:$0x7F0] =	vst v63;
	(pc) =	sbr.rel @p0 .LBB2_1-.Ltmp0, $4  }
0xb4: {  	[hbm4b:s5+s2] =	stream.linear.scatter [tilespmem:s18], [sflag:$0x2], $0x200, $0x38;
	[tilespmem:$0x800] =	vst v63  }
0xb5: {  	_ =	swait.ge [sflag:s7], $0x200  }
0xb6: {  	[sflag:s7] =	ssyncset.done $0x0  }
0xb7: {  	s6 =	sadd.s32 $0xFFFFFFFF, s6;
	[sflag:s7] =	ssyncadd.s32 $0xFFFFFE00  }
0xb8: {  	_ =	sfence.sel $0x180000  }
0xb9: {  	[bflag:$0x0] =	sbarrier.arrive $0xFFFF  }
0xba: {  	p0 =	sne.s32 s1, $0x0;
	_ =	strace $0x90000047  }
0xbb: {  	s0 =	sadd.s32 @!p0 $0x100000, s0;
	[bflag:$0x2] =	sbarrier.arrive $0xFFFF  }
0xbc: {  	[sflag:s0] =	ssyncadd.tile.s32 @!p0 $0x1;
	_ =	shalt  }
.Lfunc_end2:
_tile_overlayer_lowered:
.L_overlay_start_2:
0xbd: {  	(tag) =	ssettag $0x2  }
0xbe: {  	s0 =	rddreg [dreg:$0x0];
	s2 =	stileid.u32  }
0xbf: {  	s1 =	rddreg [dreg:$0x1];
	p0 =	sne.s32 s2, $0x0  }
0xc0: {  	s3 =	rddreg [dreg:$0x2];
	[bflag:$0x3] =	sbarrier.arrive $0xFFFF;
	s2 =	simm.s32 @!p0 $0x1C02  }
0xc1: {  	[timem:s3], [sflag:s2] =	dma.local @!p0 [hbm:s0], s1  }
0xc2: {  	s0 =	simm.s32 @!p0 $0x2  }
0xc3: {  	_ =	swait.ge @!p0 [sflag:s0], s1  }
0xc4: {  	s1 =	ssub.s32 @!p0 $0x0, s1;
	[sflag:s0] =	ssyncset.done @!p0 $0x0  }
0xc5: {  	[sflag:s0] =	ssyncadd.s32 @!p0 s1  }
0xc6: {  	[bflag:$0x3] =	sbarrier.arrive $0xFFFF  }
0xc7: {  	_ =	shalt  }

</sc_bundles>
